<compile_context>
chip_gen: v7x
topology: tpu7x:2x2x1
jax: 0.10.2.dev20260603
libtpu: 0.0.44.dev20260713+nightly
codegen_flags: <defaults>
</compile_context>

<pallas_src>
import functools

import jax
import jax.numpy as jnp
from jax import lax
from jax.experimental import pallas as pl
from jax.experimental.pallas import tpu as pltpu
from jax.experimental.pallas import tpu_sc as plsc

NUM_SLOTS = 26
D = 16
HIST = 50
LANES = 16
NC = 2
NS = 16
NW = NC * NS
K = 64
IDS = K * HIST
JCOLS = 128
JROWS = IDS // JCOLS
ACC = K * NUM_SLOTS


def _segment_sums(table, gidx, roff, batch):
    chunks = batch // (NW * K)
    mesh = plsc.VectorSubcoreMesh(core_axis_name="c", subcore_axis_name="s")

    @functools.partial(
        pl.kernel,
        mesh=mesh,
        compiler_params=pltpu.CompilerParams(use_tc_tiling_on_sc=False),
        out_type=jax.ShapeDtypeStruct((batch * NUM_SLOTS, D), jnp.float32),
        scratch_types=[
            pltpu.VMEM((JROWS, JCOLS), jnp.int32),
            pltpu.VMEM((JROWS, JCOLS), jnp.int32),
            pltpu.VMEM((JROWS, JCOLS), jnp.int32),
            pltpu.VMEM((IDS, D), jnp.float32),
            pltpu.VMEM((ACC, D), jnp.float32),
            pltpu.VMEM_SHARED((NS * ACC, D), jnp.float32),
        ],
    )
    def sums_kernel(table_h, gidx_h, roff_h, out_h, gix_v, dix_v, roff_v,
                    buf_v, zero_v, acc_sh):
        cid = lax.axis_index("c")
        sid = lax.axis_index("s")
        wid = sid * NC + cid
        accbase = sid * ACC
        pltpu.sync_copy(roff_h, roff_v)

        def zero_body(i, _):
            zero_v[i, :] = jnp.zeros((D,), jnp.float32)
            return _

        lax.fori_loop(0, ACC, zero_body, None)

        def chunk_body(c, _):
            pltpu.sync_copy(gidx_h.at[wid, c], gix_v)
            def idx_body(t, _):
                r = t // (JCOLS // LANES)
                col = (t % (JCOLS // LANES)) * LANES
                g = gix_v[r, pl.ds(col, LANES)]
                dst = accbase + (roff_v[r, pl.ds(col, LANES)] + g % NUM_SLOTS)
                dix_v[r, pl.ds(col, LANES)] = dst
                return _

            lax.fori_loop(0, IDS // LANES, idx_body, None)
            pltpu.sync_copy(zero_v, acc_sh.at[pl.ds(accbase, ACC)])

            def gs_body(j, _):
                rows = buf_v.at[pl.ds(j * JCOLS, JCOLS)]
                pltpu.sync_copy(table_h.at[gix_v.at[j]], rows)
                pltpu.sync_copy(rows, acc_sh.at[dix_v.at[j]], add=True)
                return _

            lax.fori_loop(0, JROWS, gs_body, None)
            outbase = (wid * chunks + c) * ACC
            pltpu.sync_copy(acc_sh.at[pl.ds(accbase, ACC)],
                            out_h.at[pl.ds(outbase, ACC)])
            return _

        lax.fori_loop(0, chunks, chunk_body, None)

    return sums_kernel(table, gidx, roff)


def _mlp(sums, xi, expand, w0, b0, w1, b1, w2t, batch):
    blk = 1024
    fdim = NUM_SLOTS * D

    def body(sums_ref, x_ref, e_ref, w0_ref, b0_ref, w1_ref, b1_ref,
             w2_ref, o_ref):
        slots = x_ref[...] % NUM_SLOTS
        sidx = lax.broadcasted_iota(jnp.int32, (blk, NUM_SLOTS), 1)
        counts = jnp.zeros((blk, NUM_SLOTS), jnp.float32)
        for l in range(HIST):
            counts += (slots[:, l:l + 1] == sidx).astype(jnp.float32)
        recip = 1.0 / jnp.maximum(counts, 1.0)
        scale = jnp.dot(recip, e_ref[...], preferred_element_type=jnp.float32)
        feat = sums_ref[...] * scale
        h = jnp.dot(feat, w0_ref[...], preferred_element_type=jnp.float32)
        h = jnp.maximum(h + b0_ref[...], 0.0)
        h = jnp.dot(h, w1_ref[...], preferred_element_type=jnp.float32)
        h = jnp.maximum(h + b1_ref[...], 0.0)
        z = jnp.sum(h * w2_ref[...], axis=1, keepdims=True)
        o_ref[...] = 1.0 / (1.0 + jnp.exp(-z))

    full = lambda shape: pl.BlockSpec(shape, lambda i: (0, 0))
    return pl.pallas_call(
        body,
        grid=(batch // blk,),
        in_specs=[
            pl.BlockSpec((blk, fdim), lambda i: (i, 0)),
            pl.BlockSpec((blk, HIST), lambda i: (i, 0)),
            full((NUM_SLOTS, fdim)),
            full((fdim, 64)),
            full((1, 64)),
            full((64, 16)),
            full((1, 16)),
            full((1, 16)),
        ],
        out_specs=pl.BlockSpec((blk, 1), lambda i: (i, 0)),
        out_shape=jax.ShapeDtypeStruct((batch, 1), jnp.float32),
    )(sums, xi, expand, w0, b0, w1, b1, w2t)


def kernel(x, table, W0, b0, W1, b1, W2):
    batch, hist = x.shape
    xi = x.astype(jnp.int32)
    chunks = batch // (NW * K)
    gidx = xi.reshape(NW, chunks, JROWS, JCOLS)
    roff = ((jnp.arange(IDS, dtype=jnp.int32) // HIST)
            * NUM_SLOTS).reshape(JROWS, JCOLS)
    sums = _segment_sums(table, gidx, roff, batch)
    sums2d = sums.reshape(batch, NUM_SLOTS * D)
    expand = jnp.repeat(jnp.eye(NUM_SLOTS, dtype=jnp.float32), D, axis=1)
    return _mlp(sums2d, xi, expand, W0, b0.reshape(1, 64),
                W1, b1.reshape(1, 16), W2.reshape(1, 16), batch)

# --- scband reference (transcript-rebuilt; emitter-appended) ---
"""Pipeline reference for scband-video-game-dnn-46677704572934 (READ-ONLY COPY).

The authoritative reference and input builder live on the scoring server;
editing this copy changes nothing except your own understanding.
"""

import jax, jax.numpy as jnp
import numpy as np

NUM_SLOTS = 26
VOCAB = 1000000
EMBED_DIM = 16
BATCH = 16384
HIST = 50


def setup_inputs(seed: int = 0) -> dict:
    key = jax.random.key(seed)
    k_x, k_t, k_w0, k_w1, k_w2 = jax.random.split(key, 5)
    x = jax.random.randint(k_x, (BATCH, HIST), 0, VOCAB, dtype=jnp.int64)
    table = jax.random.normal(k_t, (VOCAB, EMBED_DIM), dtype=jnp.float32) * 0.05
    W0 = jax.random.normal(k_w0, (NUM_SLOTS * EMBED_DIM, 64), dtype=jnp.float32) * 0.05
    b0 = jnp.zeros((64,), dtype=jnp.float32)
    W1 = jax.random.normal(k_w1, (64, 16), dtype=jnp.float32) * 0.1
    b1 = jnp.zeros((16,), dtype=jnp.float32)
    W2 = jax.random.normal(k_w2, (16, 1), dtype=jnp.float32) * 0.1
    return {"x": x, "table": table, "W0": W0, "b0": b0, "W1": W1, "b1": b1, "W2": W2}


def reference(x, table, W0, b0, W1, b1, W2):
    # FieldWiseEmbedding: gather per-id embeddings, map each id to a slot via
    # slot_map_fn (modeled as id % NUM_SLOTS), and mean-combine per (batch, slot).
    B, L = x.shape
    D = table.shape[1]
    emb = jnp.take(table, x, axis=0)  # [B, L, D] gather
    slots = (x % NUM_SLOTS).astype(jnp.int32)  # [B, L]
    seg = (slots + NUM_SLOTS * jnp.arange(B, dtype=jnp.int32)[:, None]).reshape(-1)
    flat_emb = emb.reshape(B * L, D)
    sums = jax.ops.segment_sum(flat_emb, seg, num_segments=B * NUM_SLOTS)
    counts = jax.ops.segment_sum(jnp.ones((B * L,), jnp.float32), seg, num_segments=B * NUM_SLOTS)
    mean = sums / jnp.maximum(counts, 1.0)[:, None]  # [B*NUM_SLOTS, D]
    feat = mean.reshape(B, NUM_SLOTS * D)  # Flatten
    h = jax.nn.relu(feat @ W0 + b0)
    h = jax.nn.relu(h @ W1 + b1)
    preds = jax.nn.sigmoid(h @ W2)
    return preds

if __name__ == "__main__":
    import jax
    _d = setup_inputs()
    print(jax.jit(kernel)(*tuple(_d.values())))

</pallas_src>

<mosaic_0001>
#map = affine_map<(d0, d1) -> (0, 0)>
#map1 = affine_map<(d0, d1) -> (0, 0, 0, 0)>
module attributes {stable_mosaic.version = 14 : i64} {
  func.func @sums_kernel(%arg0: i32, %arg1: i32, %arg2: memref<1000000x16xf32, #tpu.memory_space<hbm>>, %arg3: memref<32x8x25x128xi32, #tpu.memory_space<hbm>>, %arg4: memref<25x128xi32, #tpu.memory_space<hbm>>, %arg5: memref<425984x16xf32, #tpu.memory_space<hbm>>, %arg6: memref<25x128xi32, #tpu.memory_space<vmem>>, %arg7: memref<25x128xi32, #tpu.memory_space<vmem>>, %arg8: memref<25x128xi32, #tpu.memory_space<vmem>>, %arg9: memref<3200x16xf32, #tpu.memory_space<vmem>>, %arg10: memref<1664x16xf32, #tpu.memory_space<vmem>>, %arg11: memref<26624x16xf32, #tpu.memory_space<vmem_shared>>) attributes {dimension_semantics = [#tpu.dimension_semantics<core_parallel>, #tpu.dimension_semantics<subcore_parallel>], iteration_bounds = array<i64: 2, 16>, scalar_prefetch = 0 : i64, scratch_operands = 6 : i64, tpu.core_type = #tpu.core_type<sc_vector_subcore>, window_params = [{transform_indices = #map}, {transform_indices = #map1}, {transform_indices = #map}, {transform_indices = #map}]} {
    %mul3A = arith.constant 2 : i32
    %mul3A_0 = arith.muli %arg1, %mul3A : i32
    %add3A = arith.addi %mul3A_0, %arg0 : i32
    %mul3A_1 = arith.constant 1664 : i32
    %mul3A_2 = arith.muli %arg1, %mul3A_1 : i32
    "tpu.region"() ({
      %run_scoped3A = tpu.sem_alloc : memref<!tpu.dma_semaphore, #tpu.memory_space<semaphore_mem>>
      tpu.enqueue_dma source(%arg4 : memref<25x128xi32, #tpu.memory_space<hbm>>) target(%arg8 : memref<25x128xi32, #tpu.memory_space<vmem>>) target_semaphore(%run_scoped3A : memref<!tpu.dma_semaphore, #tpu.memory_space<semaphore_mem>>)
      tpu.wait_dma2 semaphore(%run_scoped3A : memref<!tpu.dma_semaphore, #tpu.memory_space<semaphore_mem>>) src(%arg4 : memref<25x128xi32, #tpu.memory_space<hbm>>) dst(%arg8 : memref<25x128xi32, #tpu.memory_space<vmem>>)
      tpu.yield
    }) : () -> ()
    %scan3A = arith.constant 0 : i32
    %scan3A_3 = arith.constant 1664 : i32
    %scan3A_4 = arith.addi %scan3A, %scan3A_3 : i32
    %scan3A_5 = arith.constant 1 : i32
    scf.for %scan3A_12 = %scan3A to %scan3A_4 step %scan3A_5  : i32 {
      %broadcast_in_dim3A = arith.constant 0.000000e+00 : f32
      %broadcast_in_dim3A_13 = vector.broadcast %broadcast_in_dim3A : f32 to vector<16xf32>
      %swap3A = arith.index_cast %scan3A_12 : i32 to index
      %swap3A_14 = arith.constant 0 : index
      %swap3A_15 = tpu.vector_load %arg10[%swap3A, %swap3A_14] {strides = array<i32>} : memref<1664x16xf32, #tpu.memory_space<vmem>>, vector<1x16xf32>,
      %swap3A_16 = vector.shape_cast %swap3A_15 : vector<1x16xf32> to vector<16xf32>
      %swap3A_17 = vector.shape_cast %broadcast_in_dim3A_13 : vector<16xf32> to vector<1x16xf32>
      tpu.vector_store %arg10[%swap3A, %swap3A_14], %swap3A_17 {strides = array<i32>} : memref<1664x16xf32, #tpu.memory_space<vmem>>, vector<1x16xf32>,
    }
    %scan3A_6 = arith.constant 1664 : i32
    %scan3A_7 = arith.constant 0 : i32
    %scan3A_8 = arith.constant 8 : i32
    %scan3A_9 = arith.addi %scan3A_7, %scan3A_8 : i32
    %scan3A_10 = arith.constant 1 : i32
    scf.for %scan3A_12 = %scan3A_7 to %scan3A_9 step %scan3A_10  : i32 {
      "tpu.region"() ({
        %run_scoped3A = tpu.sem_alloc : memref<!tpu.dma_semaphore, #tpu.memory_space<semaphore_mem>>
        %dma_start3A = arith.constant 0 : i32
        %dma_start3A_28 = arith.constant 0 : i32
        %dma_start3A_29 = tpu.memref_slice %arg3[%add3A, %scan3A_12, %dma_start3A, %dma_start3A_28] : memref<32x8x25x128xi32, #tpu.memory_space<hbm>> -> memref<1x1x25x128xi32, #tpu.memory_space<hbm>>
        %dma_start3A_30 = tpu.memref_squeeze %dma_start3A_29 : memref<1x1x25x128xi32, #tpu.memory_space<hbm>> -> memref<25x128xi32, #tpu.memory_space<hbm>>
        %dma_start3A_31 = arith.constant 0 : i32
        %dma_start3A_32 = arith.constant 0 : i32
        %dma_start3A_33 = tpu.memref_slice %arg3[%add3A, %scan3A_12, %dma_start3A_31, %dma_start3A_32] : memref<32x8x25x128xi32, #tpu.memory_space<hbm>> -> memref<1x1x25x128xi32, #tpu.memory_space<hbm>>
        %dma_start3A_34 = tpu.memref_squeeze %dma_start3A_33 : memref<1x1x25x128xi32, #tpu.memory_space<hbm>> -> memref<25x128xi32, #tpu.memory_space<hbm>>
        tpu.enqueue_dma source(%dma_start3A_34 : memref<25x128xi32, #tpu.memory_space<hbm>>) target(%arg6 : memref<25x128xi32, #tpu.memory_space<vmem>>) target_semaphore(%run_scoped3A : memref<!tpu.dma_semaphore, #tpu.memory_space<semaphore_mem>>)
        %dma_wait3A = arith.constant 0 : i32
        %dma_wait3A_35 = arith.constant 0 : i32
        %dma_wait3A_36 = tpu.memref_slice %arg3[%add3A, %scan3A_12, %dma_wait3A, %dma_wait3A_35] : memref<32x8x25x128xi32, #tpu.memory_space<hbm>> -> memref<1x1x25x128xi32, #tpu.memory_space<hbm>>
        %dma_wait3A_37 = tpu.memref_squeeze %dma_wait3A_36 : memref<1x1x25x128xi32, #tpu.memory_space<hbm>> -> memref<25x128xi32, #tpu.memory_space<hbm>>
        %dma_wait3A_38 = arith.constant 0 : i32
        %dma_wait3A_39 = arith.constant 0 : i32
        %dma_wait3A_40 = tpu.memref_slice %arg3[%add3A, %scan3A_12, %dma_wait3A_38, %dma_wait3A_39] : memref<32x8x25x128xi32, #tpu.memory_space<hbm>> -> memref<1x1x25x128xi32, #tpu.memory_space<hbm>>
        %dma_wait3A_41 = tpu.memref_squeeze %dma_wait3A_40 : memref<1x1x25x128xi32, #tpu.memory_space<hbm>> -> memref<25x128xi32, #tpu.memory_space<hbm>>
        tpu.wait_dma2 semaphore(%run_scoped3A : memref<!tpu.dma_semaphore, #tpu.memory_space<semaphore_mem>>) src(%dma_wait3A_41 : memref<25x128xi32, #tpu.memory_space<hbm>>) dst(%arg6 : memref<25x128xi32, #tpu.memory_space<vmem>>)
        tpu.yield
      }) : () -> ()
      %scan3A_13 = arith.constant 0 : i32
      %scan3A_14 = arith.constant 200 : i32
      %scan3A_15 = arith.addi %scan3A_13, %scan3A_14 : i32
      %scan3A_16 = arith.constant 1 : i32
      scf.for %scan3A_28 = %scan3A_13 to %scan3A_15 step %scan3A_16  : i32 {
        %jit3A = arith.constant 8 : i32
        %div3A = arith.divsi %scan3A_28, %jit3A : i32
        %sign3A = arith.constant 0 : i32
        %sign3A_29 = arith.cmpi sgt, %scan3A_28, %sign3A : i32
        %sign3A_30 = arith.extui %sign3A_29 : i1 to i32
        %sign3A_31 = arith.constant 0 : i32
        %sign3A_32 = arith.cmpi slt, %scan3A_28, %sign3A_31 : i32
        %sign3A_33 = arith.extui %sign3A_32 : i1 to i32
        %sign3A_34 = arith.subi %sign3A_30, %sign3A_33 : i32
        %sign3A_35 = arith.constant 0 : i32
        %sign3A_36 = arith.cmpi sgt, %jit3A, %sign3A_35 : i32
        %sign3A_37 = arith.extui %sign3A_36 : i1 to i32
        %sign3A_38 = arith.constant 0 : i32
        %sign3A_39 = arith.cmpi slt, %jit3A, %sign3A_38 : i32
        %sign3A_40 = arith.extui %sign3A_39 : i1 to i32
        %sign3A_41 = arith.subi %sign3A_37, %sign3A_40 : i32
        %ne3A = arith.cmpi ne, %sign3A_34, %sign3A_41 : i32
        %rem3A = arith.remsi %scan3A_28, %jit3A : i32
        %ne3A_42 = arith.constant 0 : i32
        %ne3A_43 = arith.cmpi ne, %rem3A, %ne3A_42 : i32
        %and3A = arith.andi %ne3A, %ne3A_43 : i1
        %sub3A = arith.constant 1 : i32
        %sub3A_44 = arith.subi %div3A, %sub3A : i32
        %select_n3A = arith.select %and3A, %sub3A_44, %div3A : i32
        %jit3A_45 = arith.constant 8 : i32
        %eq3A = arith.constant 0 : i32
        %eq3A_46 = arith.cmpi eq, %jit3A_45, %eq3A : i32
        %jit3A_47 = arith.constant 1 : i32
        %select_n3A_48 = arith.select %eq3A_46, %jit3A_47, %jit3A_45 : i32
        %rem3A_49 = arith.remsi %scan3A_28, %select_n3A_48 : i32
        %ne3A_50 = arith.constant 0 : i32
        %ne3A_51 = arith.cmpi ne, %rem3A_49, %ne3A_50 : i32
        %lt3A = arith.constant 0 : i32
        %lt3A_52 = arith.cmpi slt, %rem3A_49, %lt3A : i32
        %lt3A_53 = arith.constant 0 : i32
        %lt3A_54 = arith.cmpi slt, %select_n3A_48, %lt3A_53 : i32
        %ne3A_55 = arith.xori %lt3A_52, %lt3A_54 : i1
        %and3A_56 = arith.andi %ne3A_55, %ne3A_51 : i1
        %add3A_57 = arith.addi %rem3A_49, %select_n3A_48 : i32
        %select_n3A_58 = arith.select %and3A_56, %add3A_57, %rem3A_49 : i32
        %mul3A_59 = arith.constant 16 : i32
        %mul3A_60 = arith.muli %select_n3A_58, %mul3A_59 : i32
        %get3A = arith.index_cast %select_n3A : i32 to index
        %get3A_61 = arith.index_cast %mul3A_60 : i32 to index
        %get3A_62 = tpu.vector_load %arg6[%get3A, %get3A_61] {strides = array<i32>} : memref<25x128xi32, #tpu.memory_space<vmem>>, vector<1x16xi32>,
        %get3A_63 = vector.shape_cast %get3A_62 : vector<1x16xi32> to vector<16xi32>
        %get3A_64 = arith.index_cast %select_n3A : i32 to index
        %get3A_65 = arith.index_cast %mul3A_60 : i32 to index
        %get3A_66 = tpu.vector_load %arg8[%get3A_64, %get3A_65] {strides = array<i32>} : memref<25x128xi32, #tpu.memory_space<vmem>>, vector<1x16xi32>,
        %get3A_67 = vector.shape_cast %get3A_66 : vector<1x16xi32> to vector<16xi32>
        %jit3A_68 = arith.constant 26 : i32
        %eq3A_69 = arith.constant 0 : i32
        %eq3A_70 = arith.cmpi eq, %jit3A_68, %eq3A_69 : i32
        %jit3A_71 = arith.constant 1 : i32
        %select_n3A_72 = arith.select %eq3A_70, %jit3A_71, %jit3A_68 : i32
        %rem3A_73 = vector.broadcast %select_n3A_72 : i32 to vector<16xi32>
        %rem3A_74 = arith.remsi %get3A_63, %rem3A_73 : vector<16xi32>
        %ne3A_75 = arith.constant 0 : i32
        %ne3A_76 = vector.broadcast %ne3A_75 : i32 to vector<16xi32>
        %ne3A_77 = arith.cmpi ne, %rem3A_74, %ne3A_76 : vector<16xi32>
        %lt3A_78 = arith.constant 0 : i32
        %lt3A_79 = vector.broadcast %lt3A_78 : i32 to vector<16xi32>
        %lt3A_80 = arith.cmpi slt, %rem3A_74, %lt3A_79 : vector<16xi32>
        %lt3A_81 = arith.constant 0 : i32
        %lt3A_82 = arith.cmpi slt, %select_n3A_72, %lt3A_81 : i32
        %ne3A_83 = vector.broadcast %lt3A_82 : i1 to vector<16xi1>
        %ne3A_84 = vector.broadcast %ne3A_83 : vector<16xi1> to vector<16xi1>
        %ne3A_85 = arith.xori %lt3A_80, %ne3A_84 : vector<16xi1>
        %and3A_86 = arith.andi %ne3A_85, %ne3A_77 : vector<16xi1>
        %add3A_87 = vector.broadcast %select_n3A_72 : i32 to vector<16xi32>
        %add3A_88 = arith.addi %rem3A_74, %add3A_87 : vector<16xi32>
        %select_n3A_89 = arith.select %and3A_86, %add3A_88, %rem3A_74 : vector<16xi1>, vector<16xi32>
        %add3A_90 = arith.addi %get3A_67, %select_n3A_89 : vector<16xi32>
        %add3A_91 = vector.broadcast %mul3A_2 : i32 to vector<16xi32>
        %add3A_92 = arith.addi %add3A_91, %add3A_90 : vector<16xi32>
        %swap3A = arith.index_cast %select_n3A : i32 to index
        %swap3A_93 = arith.index_cast %mul3A_60 : i32 to index
        %swap3A_94 = tpu.vector_load %arg7[%swap3A, %swap3A_93] {strides = array<i32>} : memref<25x128xi32, #tpu.memory_space<vmem>>, vector<1x16xi32>,
        %swap3A_95 = vector.shape_cast %swap3A_94 : vector<1x16xi32> to vector<16xi32>
        %swap3A_96 = vector.shape_cast %add3A_92 : vector<16xi32> to vector<1x16xi32>
        tpu.vector_store %arg7[%swap3A, %swap3A_93], %swap3A_96 {strides = array<i32>} : memref<25x128xi32, #tpu.memory_space<vmem>>, vector<1x16xi32>,
      }
      %scan3A_17 = arith.constant 200 : i32
      "tpu.region"() ({
        %run_scoped3A = tpu.sem_alloc : memref<!tpu.dma_semaphore, #tpu.memory_space<semaphore_mem>>
        %dma_start3A = arith.constant 0 : i32
        %dma_start3A_28 = tpu.memref_slice %arg11[%mul3A_2, %dma_start3A] : memref<26624x16xf32, #tpu.memory_space<vmem_shared>> -> memref<1664x16xf32, #tpu.memory_space<vmem_shared>>
        %dma_start3A_29 = arith.constant 0 : i32
        %dma_start3A_30 = tpu.memref_slice %arg11[%mul3A_2, %dma_start3A_29] : memref<26624x16xf32, #tpu.memory_space<vmem_shared>> -> memref<1664x16xf32, #tpu.memory_space<vmem_shared>>
        tpu.enqueue_dma source(%arg10 : memref<1664x16xf32, #tpu.memory_space<vmem>>) target(%dma_start3A_30 : memref<1664x16xf32, #tpu.memory_space<vmem_shared>>) target_semaphore(%run_scoped3A : memref<!tpu.dma_semaphore, #tpu.memory_space<semaphore_mem>>)
        %dma_wait3A = arith.constant 0 : i32
        %dma_wait3A_31 = tpu.memref_slice %arg11[%mul3A_2, %dma_wait3A] : memref<26624x16xf32, #tpu.memory_space<vmem_shared>> -> memref<1664x16xf32, #tpu.memory_space<vmem_shared>>
        %dma_wait3A_32 = arith.constant 0 : i32
        %dma_wait3A_33 = tpu.memref_slice %arg11[%mul3A_2, %dma_wait3A_32] : memref<26624x16xf32, #tpu.memory_space<vmem_shared>> -> memref<1664x16xf32, #tpu.memory_space<vmem_shared>>
        tpu.wait_dma2 semaphore(%run_scoped3A : memref<!tpu.dma_semaphore, #tpu.memory_space<semaphore_mem>>) src(%arg10 : memref<1664x16xf32, #tpu.memory_space<vmem>>) dst(%dma_wait3A_33 : memref<1664x16xf32, #tpu.memory_space<vmem_shared>>)
        tpu.yield
      }) : () -> ()
      %scan3A_18 = arith.constant 0 : i32
      %scan3A_19 = arith.constant 25 : i32
      %scan3A_20 = arith.addi %scan3A_18, %scan3A_19 : i32
      %scan3A_21 = arith.constant 1 : i32
      scf.for %scan3A_28 = %scan3A_18 to %scan3A_20 step %scan3A_21  : i32 {
        %mul3A_29 = arith.constant 128 : i32
        %mul3A_30 = arith.muli %scan3A_28, %mul3A_29 : i32
        "tpu.region"() ({
          %run_scoped3A = tpu.sem_alloc : memref<!tpu.dma_semaphore, #tpu.memory_space<semaphore_mem>>
          %dma_start3A = arith.constant 0 : i32
          %dma_start3A_31 = tpu.memref_slice %arg9[%mul3A_30, %dma_start3A] : memref<3200x16xf32, #tpu.memory_space<vmem>> -> memref<128x16xf32, #tpu.memory_space<vmem>>
          %dma_start3A_32 = arith.constant 0 : i32
          %dma_start3A_33 = tpu.memref_slice %arg6[%scan3A_28, %dma_start3A_32] : memref<25x128xi32, #tpu.memory_space<vmem>> -> memref<1x128xi32, #tpu.memory_space<vmem>>
          %dma_start3A_34 = tpu.memref_squeeze %dma_start3A_33 : memref<1x128xi32, #tpu.memory_space<vmem>> -> memref<128xi32, #tpu.memory_space<vmem>>
          %dma_start3A_35 = arith.constant 0 : i32
          %dma_start3A_36 = arith.constant 0 : i32
          %dma_start3A_37 = tpu.memref_slice %arg2[%dma_start3A_35, %dma_start3A_36] : memref<1000000x16xf32, #tpu.memory_space<hbm>> -> memref<1000000x16xf32, #tpu.memory_space<hbm>>
          tpu.enqueue_indirect_dma source(%dma_start3A_37 : memref<1000000x16xf32, #tpu.memory_space<hbm>>) target(%dma_start3A_31 : memref<128x16xf32, #tpu.memory_space<vmem>>) offsets(%dma_start3A_34 : memref<128xi32, #tpu.memory_space<vmem>>) semaphore(%run_scoped3A : memref<!tpu.dma_semaphore, #tpu.memory_space<semaphore_mem>>)
          %dma_wait3A = arith.constant 0 : i32
          %dma_wait3A_38 = tpu.memref_slice %arg9[%mul3A_30, %dma_wait3A] : memref<3200x16xf32, #tpu.memory_space<vmem>> -> memref<128x16xf32, #tpu.memory_space<vmem>>
          %dma_wait3A_39 = arith.constant 0 : i32
          %dma_wait3A_40 = tpu.memref_slice %arg6[%scan3A_28, %dma_wait3A_39] : memref<25x128xi32, #tpu.memory_space<vmem>> -> memref<1x128xi32, #tpu.memory_space<vmem>>
          %dma_wait3A_41 = tpu.memref_squeeze %dma_wait3A_40 : memref<1x128xi32, #tpu.memory_space<vmem>> -> memref<128xi32, #tpu.memory_space<vmem>>
          %dma_wait3A_42 = arith.constant 0 : i32
          %dma_wait3A_43 = arith.constant 0 : i32
          %dma_wait3A_44 = tpu.memref_slice %arg2[%dma_wait3A_42, %dma_wait3A_43] : memref<1000000x16xf32, #tpu.memory_space<hbm>> -> memref<1000000x16xf32, #tpu.memory_space<hbm>>
          tpu.wait_indirect_dma semaphore(%run_scoped3A : memref<!tpu.dma_semaphore, #tpu.memory_space<semaphore_mem>>) src(%dma_wait3A_44 : memref<1000000x16xf32, #tpu.memory_space<hbm>>) dst(%dma_wait3A_38 : memref<128x16xf32, #tpu.memory_space<vmem>>)
          tpu.yield
        }) : () -> ()
        "tpu.region"() ({
          %run_scoped3A = tpu.sem_alloc : memref<!tpu.dma_semaphore, #tpu.memory_space<semaphore_mem>>
          %dma_start3A = arith.constant 0 : i32
          %dma_start3A_31 = tpu.memref_slice %arg9[%mul3A_30, %dma_start3A] : memref<3200x16xf32, #tpu.memory_space<vmem>> -> memref<128x16xf32, #tpu.memory_space<vmem>>
          %dma_start3A_32 = arith.constant 0 : i32
          %dma_start3A_33 = tpu.memref_slice %arg7[%scan3A_28, %dma_start3A_32] : memref<25x128xi32, #tpu.memory_space<vmem>> -> memref<1x128xi32, #tpu.memory_space<vmem>>
          %dma_start3A_34 = tpu.memref_squeeze %dma_start3A_33 : memref<1x128xi32, #tpu.memory_space<vmem>> -> memref<128xi32, #tpu.memory_space<vmem>>
          %dma_start3A_35 = arith.constant 0 : i32
          %dma_start3A_36 = arith.constant 0 : i32
          %dma_start3A_37 = tpu.memref_slice %arg11[%dma_start3A_35, %dma_start3A_36] : memref<26624x16xf32, #tpu.memory_space<vmem_shared>> -> memref<26624x16xf32, #tpu.memory_space<vmem_shared>>
          tpu.enqueue_indirect_dma source(%dma_start3A_31 : memref<128x16xf32, #tpu.memory_space<vmem>>) target(%dma_start3A_37 : memref<26624x16xf32, #tpu.memory_space<vmem_shared>>) offsets(%dma_start3A_34 : memref<128xi32, #tpu.memory_space<vmem>>) semaphore(%run_scoped3A : memref<!tpu.dma_semaphore, #tpu.memory_space<semaphore_mem>>) {add = true}
          %dma_wait3A = arith.constant 0 : i32
          %dma_wait3A_38 = tpu.memref_slice %arg9[%mul3A_30, %dma_wait3A] : memref<3200x16xf32, #tpu.memory_space<vmem>> -> memref<128x16xf32, #tpu.memory_space<vmem>>
          %dma_wait3A_39 = arith.constant 0 : i32
          %dma_wait3A_40 = tpu.memref_slice %arg7[%scan3A_28, %dma_wait3A_39] : memref<25x128xi32, #tpu.memory_space<vmem>> -> memref<1x128xi32, #tpu.memory_space<vmem>>
          %dma_wait3A_41 = tpu.memref_squeeze %dma_wait3A_40 : memref<1x128xi32, #tpu.memory_space<vmem>> -> memref<128xi32, #tpu.memory_space<vmem>>
          %dma_wait3A_42 = arith.constant 0 : i32
          %dma_wait3A_43 = arith.constant 0 : i32
          %dma_wait3A_44 = tpu.memref_slice %arg11[%dma_wait3A_42, %dma_wait3A_43] : memref<26624x16xf32, #tpu.memory_space<vmem_shared>> -> memref<26624x16xf32, #tpu.memory_space<vmem_shared>>
          tpu.wait_indirect_dma semaphore(%run_scoped3A : memref<!tpu.dma_semaphore, #tpu.memory_space<semaphore_mem>>) src(%dma_wait3A_38 : memref<128x16xf32, #tpu.memory_space<vmem>>) dst(%dma_wait3A_44 : memref<26624x16xf32, #tpu.memory_space<vmem_shared>>)
          tpu.yield
        }) : () -> ()
      }
      %scan3A_22 = arith.constant 25 : i32
      %mul3A_23 = arith.constant 8 : i32
      %mul3A_24 = arith.muli %add3A, %mul3A_23 : i32
      %add3A_25 = arith.addi %mul3A_24, %scan3A_12 : i32
      %mul3A_26 = arith.constant 1664 : i32
      %mul3A_27 = arith.muli %add3A_25, %mul3A_26 : i32
      "tpu.region"() ({
        %run_scoped3A = tpu.sem_alloc : memref<!tpu.dma_semaphore, #tpu.memory_space<semaphore_mem>>
        %dma_start3A = arith.constant 0 : i32
        %dma_start3A_28 = tpu.memref_slice %arg5[%mul3A_27, %dma_start3A] : memref<425984x16xf32, #tpu.memory_space<hbm>> -> memref<1664x16xf32, #tpu.memory_space<hbm>>
        %dma_start3A_29 = arith.constant 0 : i32
        %dma_start3A_30 = tpu.memref_slice %arg11[%mul3A_2, %dma_start3A_29] : memref<26624x16xf32, #tpu.memory_space<vmem_shared>> -> memref<1664x16xf32, #tpu.memory_space<vmem_shared>>
        tpu.enqueue_dma source(%dma_start3A_30 : memref<1664x16xf32, #tpu.memory_space<vmem_shared>>) target(%dma_start3A_28 : memref<1664x16xf32, #tpu.memory_space<hbm>>) target_semaphore(%run_scoped3A : memref<!tpu.dma_semaphore, #tpu.memory_space<semaphore_mem>>)
        %dma_wait3A = arith.constant 0 : i32
        %dma_wait3A_31 = tpu.memref_slice %arg5[%mul3A_27, %dma_wait3A] : memref<425984x16xf32, #tpu.memory_space<hbm>> -> memref<1664x16xf32, #tpu.memory_space<hbm>>
        %dma_wait3A_32 = arith.constant 0 : i32
        %dma_wait3A_33 = tpu.memref_slice %arg11[%mul3A_2, %dma_wait3A_32] : memref<26624x16xf32, #tpu.memory_space<vmem_shared>> -> memref<1664x16xf32, #tpu.memory_space<vmem_shared>>
        tpu.wait_dma2 semaphore(%run_scoped3A : memref<!tpu.dma_semaphore, #tpu.memory_space<semaphore_mem>>) src(%dma_wait3A_33 : memref<1664x16xf32, #tpu.memory_space<vmem_shared>>) dst(%dma_wait3A_31 : memref<1664x16xf32, #tpu.memory_space<hbm>>)
        tpu.yield
      }) : () -> ()
    }
    %scan3A_11 = arith.constant 8 : i32
    return
  }
}

module attributes {stable_mosaic.version = 14 : i64} {
  func.func @body(%arg0: i32, %arg1: memref<1024x416xf32, #tpu.memory_space<vmem>>, %arg2: memref<1024x50xi32, #tpu.memory_space<vmem>>, %arg3: memref<26x416xf32, #tpu.memory_space<vmem>>, %arg4: memref<416x64xf32, #tpu.memory_space<vmem>>, %arg5: memref<1x64xf32, #tpu.memory_space<vmem>>, %arg6: memref<64x16xf32, #tpu.memory_space<vmem>>, %arg7: memref<1x16xf32, #tpu.memory_space<vmem>>, %arg8: memref<1x16xf32, #tpu.memory_space<vmem>>, %arg9: memref<1024x1xf32, #tpu.memory_space<vmem>>) attributes {dimension_semantics = [#tpu.dimension_semantics<arbitrary>], iteration_bounds = array<i64: 16>, scalar_prefetch = 0 : i64, scratch_operands = 0 : i64, tpu.core_type = #tpu.core_type<tc>, window_params = [{transform_indices = @transform_0, window_bounds = array<i64: 1024, 416>}, {transform_indices = @transform_1, window_bounds = array<i64: 1024, 50>}, {pipeline_mode = #tpu.pipeline_mode<synchronous>, transform_indices = @transform_2, window_bounds = array<i64: 26, 416>}, {pipeline_mode = #tpu.pipeline_mode<synchronous>, transform_indices = @transform_3, window_bounds = array<i64: 416, 64>}, {pipeline_mode = #tpu.pipeline_mode<synchronous>, transform_indices = @transform_4, window_bounds = array<i64: 1, 64>}, {pipeline_mode = #tpu.pipeline_mode<synchronous>, transform_indices = @transform_5, window_bounds = array<i64: 64, 16>}, {pipeline_mode = #tpu.pipeline_mode<synchronous>, transform_indices = @transform_6, window_bounds = array<i64: 1, 16>}, {pipeline_mode = #tpu.pipeline_mode<synchronous>, transform_indices = @transform_7, window_bounds = array<i64: 1, 16>}, {transform_indices = @transform_8, window_bounds = array<i64: 1024, 1>}]} {
    %get3A = arith.constant 0 : index
    %get3A_0 = arith.constant 0 : index
    %get3A_1 = vector.load %arg2[%get3A, %get3A_0] : memref<1024x50xi32, #tpu.memory_space<vmem>>, vector<1024x50xi32>
    %jit3A = arith.constant 26 : i32
    %eq3A = arith.constant 0 : i32
    %eq3A_2 = arith.cmpi eq, %jit3A, %eq3A : i32
    %jit3A_3 = arith.constant 1 : i32
    %select_n3A = arith.select %eq3A_2, %jit3A_3, %jit3A : i32
    %rem3A = vector.broadcast %select_n3A : i32 to vector<1024x50xi32>
    %rem3A_4 = arith.remsi %get3A_1, %rem3A : vector<1024x50xi32>
    %ne3A = arith.constant 0 : i32
    %ne3A_5 = vector.broadcast %ne3A : i32 to vector<1024x50xi32>
    %ne3A_6 = arith.cmpi ne, %rem3A_4, %ne3A_5 : vector<1024x50xi32>
    %lt3A = arith.constant 0 : i32
    %lt3A_7 = vector.broadcast %lt3A : i32 to vector<1024x50xi32>
    %lt3A_8 = arith.cmpi slt, %rem3A_4, %lt3A_7 : vector<1024x50xi32>
    %lt3A_9 = arith.constant 0 : i32
    %lt3A_10 = arith.cmpi slt, %select_n3A, %lt3A_9 : i32
    %ne3A_11 = vector.broadcast %lt3A_10 : i1 to vector<1024x50xi1>
    %ne3A_12 = vector.broadcast %ne3A_11 : vector<1024x50xi1> to vector<1024x50xi1>
    %ne3A_13 = arith.xori %lt3A_8, %ne3A_12 : vector<1024x50xi1>
    %and3A = arith.andi %ne3A_13, %ne3A_6 : vector<1024x50xi1>
    %add3A = vector.broadcast %select_n3A : i32 to vector<1024x50xi32>
    %add3A_14 = arith.addi %rem3A_4, %add3A : vector<1024x50xi32>
    %select_n3A_15 = arith.select %and3A, %add3A_14, %rem3A_4 : vector<1024x50xi1>, vector<1024x50xi32>
    %iota3A = tpu.iota {dimensions = array<i32: 1>} : vector<1024x26xi32>
    %broadcast_in_dim3A = arith.constant 0.000000e+00 : f32
    %broadcast_in_dim3A_16 = vector.broadcast %broadcast_in_dim3A : f32 to vector<1024x26xf32>
    %slice3A = vector.extract_strided_slice %select_n3A_15 {offsets = [0, 0], sizes = [1024, 1], strides = [1, 1]} : vector<1024x50xi32> to vector<1024x1xi32>
    %eq3A_17 = vector.broadcast %slice3A : vector<1024x1xi32> to vector<1024x26xi32>
    %eq3A_18 = arith.cmpi eq, %eq3A_17, %iota3A : vector<1024x26xi32>
    %convert_element_type3A = arith.extui %eq3A_18 : vector<1024x26xi1> to vector<1024x26xi32>
    %convert_element_type3A_19 = arith.sitofp %convert_element_type3A : vector<1024x26xi32> to vector<1024x26xf32>
    %add3A_20 = arith.addf %broadcast_in_dim3A_16, %convert_element_type3A_19 : vector<1024x26xf32>
    %slice3A_21 = vector.extract_strided_slice %select_n3A_15 {offsets = [0, 1], sizes = [1024, 1], strides = [1, 1]} : vector<1024x50xi32> to vector<1024x1xi32>
    %eq3A_22 = vector.broadcast %slice3A_21 : vector<1024x1xi32> to vector<1024x26xi32>
    %eq3A_23 = arith.cmpi eq, %eq3A_22, %iota3A : vector<1024x26xi32>
    %convert_element_type3A_24 = arith.extui %eq3A_23 : vector<1024x26xi1> to vector<1024x26xi32>
    %convert_element_type3A_25 = arith.sitofp %convert_element_type3A_24 : vector<1024x26xi32> to vector<1024x26xf32>
    %add3A_26 = arith.addf %add3A_20, %convert_element_type3A_25 : vector<1024x26xf32>
    %slice3A_27 = vector.extract_strided_slice %select_n3A_15 {offsets = [0, 2], sizes = [1024, 1], strides = [1, 1]} : vector<1024x50xi32> to vector<1024x1xi32>
    %eq3A_28 = vector.broadcast %slice3A_27 : vector<1024x1xi32> to vector<1024x26xi32>
    %eq3A_29 = arith.cmpi eq, %eq3A_28, %iota3A : vector<1024x26xi32>
    %convert_element_type3A_30 = arith.extui %eq3A_29 : vector<1024x26xi1> to vector<1024x26xi32>
    %convert_element_type3A_31 = arith.sitofp %convert_element_type3A_30 : vector<1024x26xi32> to vector<1024x26xf32>
    %add3A_32 = arith.addf %add3A_26, %convert_element_type3A_31 : vector<1024x26xf32>
    %slice3A_33 = vector.extract_strided_slice %select_n3A_15 {offsets = [0, 3], sizes = [1024, 1], strides = [1, 1]} : vector<1024x50xi32> to vector<1024x1xi32>
    %eq3A_34 = vector.broadcast %slice3A_33 : vector<1024x1xi32> to vector<1024x26xi32>
    %eq3A_35 = arith.cmpi eq, %eq3A_34, %iota3A : vector<1024x26xi32>
    %convert_element_type3A_36 = arith.extui %eq3A_35 : vector<1024x26xi1> to vector<1024x26xi32>
    %convert_element_type3A_37 = arith.sitofp %convert_element_type3A_36 : vector<1024x26xi32> to vector<1024x26xf32>
    %add3A_38 = arith.addf %add3A_32, %convert_element_type3A_37 : vector<1024x26xf32>
    %slice3A_39 = vector.extract_strided_slice %select_n3A_15 {offsets = [0, 4], sizes = [1024, 1], strides = [1, 1]} : vector<1024x50xi32> to vector<1024x1xi32>
    %eq3A_40 = vector.broadcast %slice3A_39 : vector<1024x1xi32> to vector<1024x26xi32>
    %eq3A_41 = arith.cmpi eq, %eq3A_40, %iota3A : vector<1024x26xi32>
    %convert_element_type3A_42 = arith.extui %eq3A_41 : vector<1024x26xi1> to vector<1024x26xi32>
    %convert_element_type3A_43 = arith.sitofp %convert_element_type3A_42 : vector<1024x26xi32> to vector<1024x26xf32>
    %add3A_44 = arith.addf %add3A_38, %convert_element_type3A_43 : vector<1024x26xf32>
    %slice3A_45 = vector.extract_strided_slice %select_n3A_15 {offsets = [0, 5], sizes = [1024, 1], strides = [1, 1]} : vector<1024x50xi32> to vector<1024x1xi32>
    %eq3A_46 = vector.broadcast %slice3A_45 : vector<1024x1xi32> to vector<1024x26xi32>
    %eq3A_47 = arith.cmpi eq, %eq3A_46, %iota3A : vector<1024x26xi32>
    %convert_element_type3A_48 = arith.extui %eq3A_47 : vector<1024x26xi1> to vector<1024x26xi32>
    %convert_element_type3A_49 = arith.sitofp %convert_element_type3A_48 : vector<1024x26xi32> to vector<1024x26xf32>
    %add3A_50 = arith.addf %add3A_44, %convert_element_type3A_49 : vector<1024x26xf32>
    %slice3A_51 = vector.extract_strided_slice %select_n3A_15 {offsets = [0, 6], sizes = [1024, 1], strides = [1, 1]} : vector<1024x50xi32> to vector<1024x1xi32>
    %eq3A_52 = vector.broadcast %slice3A_51 : vector<1024x1xi32> to vector<1024x26xi32>
    %eq3A_53 = arith.cmpi eq, %eq3A_52, %iota3A : vector<1024x26xi32>
    %convert_element_type3A_54 = arith.extui %eq3A_53 : vector<1024x26xi1> to vector<1024x26xi32>
    %convert_element_type3A_55 = arith.sitofp %convert_element_type3A_54 : vector<1024x26xi32> to vector<1024x26xf32>
    %add3A_56 = arith.addf %add3A_50, %convert_element_type3A_55 : vector<1024x26xf32>
    %slice3A_57 = vector.extract_strided_slice %select_n3A_15 {offsets = [0, 7], sizes = [1024, 1], strides = [1, 1]} : vector<1024x50xi32> to vector<1024x1xi32>
    %eq3A_58 = vector.broadcast %slice3A_57 : vector<1024x1xi32> to vector<1024x26xi32>
    %eq3A_59 = arith.cmpi eq, %eq3A_58, %iota3A : vector<1024x26xi32>
    %convert_element_type3A_60 = arith.extui %eq3A_59 : vector<1024x26xi1> to vector<1024x26xi32>
    %convert_element_type3A_61 = arith.sitofp %convert_element_type3A_60 : vector<1024x26xi32> to vector<1024x26xf32>
    %add3A_62 = arith.addf %add3A_56, %convert_element_type3A_61 : vector<1024x26xf32>
    %slice3A_63 = vector.extract_strided_slice %select_n3A_15 {offsets = [0, 8], sizes = [1024, 1], strides = [1, 1]} : vector<1024x50xi32> to vector<1024x1xi32>
    %eq3A_64 = vector.broadcast %slice3A_63 : vector<1024x1xi32> to vector<1024x26xi32>
    %eq3A_65 = arith.cmpi eq, %eq3A_64, %iota3A : vector<1024x26xi32>
    %convert_element_type3A_66 = arith.extui %eq3A_65 : vector<1024x26xi1> to vector<1024x26xi32>
    %convert_element_type3A_67 = arith.sitofp %convert_element_type3A_66 : vector<1024x26xi32> to vector<1024x26xf32>
    %add3A_68 = arith.addf %add3A_62, %convert_element_type3A_67 : vector<1024x26xf32>
    %slice3A_69 = vector.extract_strided_slice %select_n3A_15 {offsets = [0, 9], sizes = [1024, 1], strides = [1, 1]} : vector<1024x50xi32> to vector<1024x1xi32>
    %eq3A_70 = vector.broadcast %slice3A_69 : vector<1024x1xi32> to vector<1024x26xi32>
    %eq3A_71 = arith.cmpi eq, %eq3A_70, %iota3A : vector<1024x26xi32>
    %convert_element_type3A_72 = arith.extui %eq3A_71 : vector<1024x26xi1> to vector<1024x26xi32>
    %convert_element_type3A_73 = arith.sitofp %convert_element_type3A_72 : vector<1024x26xi32> to vector<1024x26xf32>
    %add3A_74 = arith.addf %add3A_68, %convert_element_type3A_73 : vector<1024x26xf32>
    %slice3A_75 = vector.extract_strided_slice %select_n3A_15 {offsets = [0, 10], sizes = [1024, 1], strides = [1, 1]} : vector<1024x50xi32> to vector<1024x1xi32>
    %eq3A_76 = vector.broadcast %slice3A_75 : vector<1024x1xi32> to vector<1024x26xi32>
    %eq3A_77 = arith.cmpi eq, %eq3A_76, %iota3A : vector<1024x26xi32>
    %convert_element_type3A_78 = arith.extui %eq3A_77 : vector<1024x26xi1> to vector<1024x26xi32>
    %convert_element_type3A_79 = arith.sitofp %convert_element_type3A_78 : vector<1024x26xi32> to vector<1024x26xf32>
    %add3A_80 = arith.addf %add3A_74, %convert_element_type3A_79 : vector<1024x26xf32>
    %slice3A_81 = vector.extract_strided_slice %select_n3A_15 {offsets = [0, 11], sizes = [1024, 1], strides = [1, 1]} : vector<1024x50xi32> to vector<1024x1xi32>
    %eq3A_82 = vector.broadcast %slice3A_81 : vector<1024x1xi32> to vector<1024x26xi32>
    %eq3A_83 = arith.cmpi eq, %eq3A_82, %iota3A : vector<1024x26xi32>
    %convert_element_type3A_84 = arith.extui %eq3A_83 : vector<1024x26xi1> to vector<1024x26xi32>
    %convert_element_type3A_85 = arith.sitofp %convert_element_type3A_84 : vector<1024x26xi32> to vector<1024x26xf32>
    %add3A_86 = arith.addf %add3A_80, %convert_element_type3A_85 : vector<1024x26xf32>
    %slice3A_87 = vector.extract_strided_slice %select_n3A_15 {offsets = [0, 12], sizes = [1024, 1], strides = [1, 1]} : vector<1024x50xi32> to vector<1024x1xi32>
    %eq3A_88 = vector.broadcast %slice3A_87 : vector<1024x1xi32> to vector<1024x26xi32>
    %eq3A_89 = arith.cmpi eq, %eq3A_88, %iota3A : vector<1024x26xi32>
    %convert_element_type3A_90 = arith.extui %eq3A_89 : vector<1024x26xi1> to vector<1024x26xi32>
    %convert_element_type3A_91 = arith.sitofp %convert_element_type3A_90 : vector<1024x26xi32> to vector<1024x26xf32>
    %add3A_92 = arith.addf %add3A_86, %convert_element_type3A_91 : vector<1024x26xf32>
    %slice3A_93 = vector.extract_strided_slice %select_n3A_15 {offsets = [0, 13], sizes = [1024, 1], strides = [1, 1]} : vector<1024x50xi32> to vector<1024x1xi32>
    %eq3A_94 = vector.broadcast %slice3A_93 : vector<1024x1xi32> to vector<1024x26xi32>
    %eq3A_95 = arith.cmpi eq, %eq3A_94, %iota3A : vector<1024x26xi32>
    %convert_element_type3A_96 = arith.extui %eq3A_95 : vector<1024x26xi1> to vector<1024x26xi32>
    %convert_element_type3A_97 = arith.sitofp %convert_element_type3A_96 : vector<1024x26xi32> to vector<1024x26xf32>
    %add3A_98 = arith.addf %add3A_92, %convert_element_type3A_97 : vector<1024x26xf32>
    %slice3A_99 = vector.extract_strided_slice %select_n3A_15 {offsets = [0, 14], sizes = [1024, 1], strides = [1, 1]} : vector<1024x50xi32> to vector<1024x1xi32>
    %eq3A_100 = vector.broadcast %slice3A_99 : vector<1024x1xi32> to vector<1024x26xi32>
    %eq3A_101 = arith.cmpi eq, %eq3A_100, %iota3A : vector<1024x26xi32>
    %convert_element_type3A_102 = arith.extui %eq3A_101 : vector<1024x26xi1> to vector<1024x26xi32>
    %convert_element_type3A_103 = arith.sitofp %convert_element_type3A_102 : vector<1024x26xi32> to vector<1024x26xf32>
    %add3A_104 = arith.addf %add3A_98, %convert_element_type3A_103 : vector<1024x26xf32>
    %slice3A_105 = vector.extract_strided_slice %select_n3A_15 {offsets = [0, 15], sizes = [1024, 1], strides = [1, 1]} : vector<1024x50xi32> to vector<1024x1xi32>
    %eq3A_106 = vector.broadcast %slice3A_105 : vector<1024x1xi32> to vector<1024x26xi32>
    %eq3A_107 = arith.cmpi eq, %eq3A_106, %iota3A : vector<1024x26xi32>
    %convert_element_type3A_108 = arith.extui %eq3A_107 : vector<1024x26xi1> to vector<1024x26xi32>
    %convert_element_type3A_109 = arith.sitofp %convert_element_type3A_108 : vector<1024x26xi32> to vector<1024x26xf32>
    %add3A_110 = arith.addf %add3A_104, %convert_element_type3A_109 : vector<1024x26xf32>
    %slice3A_111 = vector.extract_strided_slice %select_n3A_15 {offsets = [0, 16], sizes = [1024, 1], strides = [1, 1]} : vector<1024x50xi32> to vector<1024x1xi32>
    %eq3A_112 = vector.broadcast %slice3A_111 : vector<1024x1xi32> to vector<1024x26xi32>
    %eq3A_113 = arith.cmpi eq, %eq3A_112, %iota3A : vector<1024x26xi32>
    %convert_element_type3A_114 = arith.extui %eq3A_113 : vector<1024x26xi1> to vector<1024x26xi32>
    %convert_element_type3A_115 = arith.sitofp %convert_element_type3A_114 : vector<1024x26xi32> to vector<1024x26xf32>
    %add3A_116 = arith.addf %add3A_110, %convert_element_type3A_115 : vector<1024x26xf32>
    %slice3A_117 = vector.extract_strided_slice %select_n3A_15 {offsets = [0, 17], sizes = [1024, 1], strides = [1, 1]} : vector<1024x50xi32> to vector<1024x1xi32>
    %eq3A_118 = vector.broadcast %slice3A_117 : vector<1024x1xi32> to vector<1024x26xi32>
    %eq3A_119 = arith.cmpi eq, %eq3A_118, %iota3A : vector<1024x26xi32>
    %convert_element_type3A_120 = arith.extui %eq3A_119 : vector<1024x26xi1> to vector<1024x26xi32>
    %convert_element_type3A_121 = arith.sitofp %convert_element_type3A_120 : vector<1024x26xi32> to vector<1024x26xf32>
    %add3A_122 = arith.addf %add3A_116, %convert_element_type3A_121 : vector<1024x26xf32>
    %slice3A_123 = vector.extract_strided_slice %select_n3A_15 {offsets = [0, 18], sizes = [1024, 1], strides = [1, 1]} : vector<1024x50xi32> to vector<1024x1xi32>
    %eq3A_124 = vector.broadcast %slice3A_123 : vector<1024x1xi32> to vector<1024x26xi32>
    %eq3A_125 = arith.cmpi eq, %eq3A_124, %iota3A : vector<1024x26xi32>
    %convert_element_type3A_126 = arith.extui %eq3A_125 : vector<1024x26xi1> to vector<1024x26xi32>
    %convert_element_type3A_127 = arith.sitofp %convert_element_type3A_126 : vector<1024x26xi32> to vector<1024x26xf32>
    %add3A_128 = arith.addf %add3A_122, %convert_element_type3A_127 : vector<1024x26xf32>
    %slice3A_129 = vector.extract_strided_slice %select_n3A_15 {offsets = [0, 19], sizes = [1024, 1], strides = [1, 1]} : vector<1024x50xi32> to vector<1024x1xi32>
    %eq3A_130 = vector.broadcast %slice3A_129 : vector<1024x1xi32> to vector<1024x26xi32>
    %eq3A_131 = arith.cmpi eq, %eq3A_130, %iota3A : vector<1024x26xi32>
    %convert_element_type3A_132 = arith.extui %eq3A_131 : vector<1024x26xi1> to vector<1024x26xi32>
    %convert_element_type3A_133 = arith.sitofp %convert_element_type3A_132 : vector<1024x26xi32> to vector<1024x26xf32>
    %add3A_134 = arith.addf %add3A_128, %convert_element_type3A_133 : vector<1024x26xf32>
    %slice3A_135 = vector.extract_strided_slice %select_n3A_15 {offsets = [0, 20], sizes = [1024, 1], strides = [1, 1]} : vector<1024x50xi32> to vector<1024x1xi32>
    %eq3A_136 = vector.broadcast %slice3A_135 : vector<1024x1xi32> to vector<1024x26xi32>
    %eq3A_137 = arith.cmpi eq, %eq3A_136, %iota3A : vector<1024x26xi32>
    %convert_element_type3A_138 = arith.extui %eq3A_137 : vector<1024x26xi1> to vector<1024x26xi32>
    %convert_element_type3A_139 = arith.sitofp %convert_element_type3A_138 : vector<1024x26xi32> to vector<1024x26xf32>
    %add3A_140 = arith.addf %add3A_134, %convert_element_type3A_139 : vector<1024x26xf32>
    %slice3A_141 = vector.extract_strided_slice %select_n3A_15 {offsets = [0, 21], sizes = [1024, 1], strides = [1, 1]} : vector<1024x50xi32> to vector<1024x1xi32>
    %eq3A_142 = vector.broadcast %slice3A_141 : vector<1024x1xi32> to vector<1024x26xi32>
    %eq3A_143 = arith.cmpi eq, %eq3A_142, %iota3A : vector<1024x26xi32>
    %convert_element_type3A_144 = arith.extui %eq3A_143 : vector<1024x26xi1> to vector<1024x26xi32>
    %convert_element_type3A_145 = arith.sitofp %convert_element_type3A_144 : vector<1024x26xi32> to vector<1024x26xf32>
    %add3A_146 = arith.addf %add3A_140, %convert_element_type3A_145 : vector<1024x26xf32>
    %slice3A_147 = vector.extract_strided_slice %select_n3A_15 {offsets = [0, 22], sizes = [1024, 1], strides = [1, 1]} : vector<1024x50xi32> to vector<1024x1xi32>
    %eq3A_148 = vector.broadcast %slice3A_147 : vector<1024x1xi32> to vector<1024x26xi32>
    %eq3A_149 = arith.cmpi eq, %eq3A_148, %iota3A : vector<1024x26xi32>
    %convert_element_type3A_150 = arith.extui %eq3A_149 : vector<1024x26xi1> to vector<1024x26xi32>
    %convert_element_type3A_151 = arith.sitofp %convert_element_type3A_150 : vector<1024x26xi32> to vector<1024x26xf32>
    %add3A_152 = arith.addf %add3A_146, %convert_element_type3A_151 : vector<1024x26xf32>
    %slice3A_153 = vector.extract_strided_slice %select_n3A_15 {offsets = [0, 23], sizes = [1024, 1], strides = [1, 1]} : vector<1024x50xi32> to vector<1024x1xi32>
    %eq3A_154 = vector.broadcast %slice3A_153 : vector<1024x1xi32> to vector<1024x26xi32>
    %eq3A_155 = arith.cmpi eq, %eq3A_154, %iota3A : vector<1024x26xi32>
    %convert_element_type3A_156 = arith.extui %eq3A_155 : vector<1024x26xi1> to vector<1024x26xi32>
    %convert_element_type3A_157 = arith.sitofp %convert_element_type3A_156 : vector<1024x26xi32> to vector<1024x26xf32>
    %add3A_158 = arith.addf %add3A_152, %convert_element_type3A_157 : vector<1024x26xf32>
    %slice3A_159 = vector.extract_strided_slice %select_n3A_15 {offsets = [0, 24], sizes = [1024, 1], strides = [1, 1]} : vector<1024x50xi32> to vector<1024x1xi32>
    %eq3A_160 = vector.broadcast %slice3A_159 : vector<1024x1xi32> to vector<1024x26xi32>
    %eq3A_161 = arith.cmpi eq, %eq3A_160, %iota3A : vector<1024x26xi32>
    %convert_element_type3A_162 = arith.extui %eq3A_161 : vector<1024x26xi1> to vector<1024x26xi32>
    %convert_element_type3A_163 = arith.sitofp %convert_element_type3A_162 : vector<1024x26xi32> to vector<1024x26xf32>
    %add3A_164 = arith.addf %add3A_158, %convert_element_type3A_163 : vector<1024x26xf32>
    %slice3A_165 = vector.extract_strided_slice %select_n3A_15 {offsets = [0, 25], sizes = [1024, 1], strides = [1, 1]} : vector<1024x50xi32> to vector<1024x1xi32>
    %eq3A_166 = vector.broadcast %slice3A_165 : vector<1024x1xi32> to vector<1024x26xi32>
    %eq3A_167 = arith.cmpi eq, %eq3A_166, %iota3A : vector<1024x26xi32>
    %convert_element_type3A_168 = arith.extui %eq3A_167 : vector<1024x26xi1> to vector<1024x26xi32>
    %convert_element_type3A_169 = arith.sitofp %convert_element_type3A_168 : vector<1024x26xi32> to vector<1024x26xf32>
    %add3A_170 = arith.addf %add3A_164, %convert_element_type3A_169 : vector<1024x26xf32>
    %slice3A_171 = vector.extract_strided_slice %select_n3A_15 {offsets = [0, 26], sizes = [1024, 1], strides = [1, 1]} : vector<1024x50xi32> to vector<1024x1xi32>
    %eq3A_172 = vector.broadcast %slice3A_171 : vector<1024x1xi32> to vector<1024x26xi32>
    %eq3A_173 = arith.cmpi eq, %eq3A_172, %iota3A : vector<1024x26xi32>
    %convert_element_type3A_174 = arith.extui %eq3A_173 : vector<1024x26xi1> to vector<1024x26xi32>
    %convert_element_type3A_175 = arith.sitofp %convert_element_type3A_174 : vector<1024x26xi32> to vector<1024x26xf32>
    %add3A_176 = arith.addf %add3A_170, %convert_element_type3A_175 : vector<1024x26xf32>
    %slice3A_177 = vector.extract_strided_slice %select_n3A_15 {offsets = [0, 27], sizes = [1024, 1], strides = [1, 1]} : vector<1024x50xi32> to vector<1024x1xi32>
    %eq3A_178 = vector.broadcast %slice3A_177 : vector<1024x1xi32> to vector<1024x26xi32>
    %eq3A_179 = arith.cmpi eq, %eq3A_178, %iota3A : vector<1024x26xi32>
    %convert_element_type3A_180 = arith.extui %eq3A_179 : vector<1024x26xi1> to vector<1024x26xi32>
    %convert_element_type3A_181 = arith.sitofp %convert_element_type3A_180 : vector<1024x26xi32> to vector<1024x26xf32>
    %add3A_182 = arith.addf %add3A_176, %convert_element_type3A_181 : vector<1024x26xf32>
    %slice3A_183 = vector.extract_strided_slice %select_n3A_15 {offsets = [0, 28], sizes = [1024, 1], strides = [1, 1]} : vector<1024x50xi32> to vector<1024x1xi32>
    %eq3A_184 = vector.broadcast %slice3A_183 : vector<1024x1xi32> to vector<1024x26xi32>
    %eq3A_185 = arith.cmpi eq, %eq3A_184, %iota3A : vector<1024x26xi32>
    %convert_element_type3A_186 = arith.extui %eq3A_185 : vector<1024x26xi1> to vector<1024x26xi32>
    %convert_element_type3A_187 = arith.sitofp %convert_element_type3A_186 : vector<1024x26xi32> to vector<1024x26xf32>
    %add3A_188 = arith.addf %add3A_182, %convert_element_type3A_187 : vector<1024x26xf32>
    %slice3A_189 = vector.extract_strided_slice %select_n3A_15 {offsets = [0, 29], sizes = [1024, 1], strides = [1, 1]} : vector<1024x50xi32> to vector<1024x1xi32>
    %eq3A_190 = vector.broadcast %slice3A_189 : vector<1024x1xi32> to vector<1024x26xi32>
    %eq3A_191 = arith.cmpi eq, %eq3A_190, %iota3A : vector<1024x26xi32>
    %convert_element_type3A_192 = arith.extui %eq3A_191 : vector<1024x26xi1> to vector<1024x26xi32>
    %convert_element_type3A_193 = arith.sitofp %convert_element_type3A_192 : vector<1024x26xi32> to vector<1024x26xf32>
    %add3A_194 = arith.addf %add3A_188, %convert_element_type3A_193 : vector<1024x26xf32>
    %slice3A_195 = vector.extract_strided_slice %select_n3A_15 {offsets = [0, 30], sizes = [1024, 1], strides = [1, 1]} : vector<1024x50xi32> to vector<1024x1xi32>
    %eq3A_196 = vector.broadcast %slice3A_195 : vector<1024x1xi32> to vector<1024x26xi32>
    %eq3A_197 = arith.cmpi eq, %eq3A_196, %iota3A : vector<1024x26xi32>
    %convert_element_type3A_198 = arith.extui %eq3A_197 : vector<1024x26xi1> to vector<1024x26xi32>
    %convert_element_type3A_199 = arith.sitofp %convert_element_type3A_198 : vector<1024x26xi32> to vector<1024x26xf32>
    %add3A_200 = arith.addf %add3A_194, %convert_element_type3A_199 : vector<1024x26xf32>
    %slice3A_201 = vector.extract_strided_slice %select_n3A_15 {offsets = [0, 31], sizes = [1024, 1], strides = [1, 1]} : vector<1024x50xi32> to vector<1024x1xi32>
    %eq3A_202 = vector.broadcast %slice3A_201 : vector<1024x1xi32> to vector<1024x26xi32>
    %eq3A_203 = arith.cmpi eq, %eq3A_202, %iota3A : vector<1024x26xi32>
    %convert_element_type3A_204 = arith.extui %eq3A_203 : vector<1024x26xi1> to vector<1024x26xi32>
    %convert_element_type3A_205 = arith.sitofp %convert_element_type3A_204 : vector<1024x26xi32> to vector<1024x26xf32>
    %add3A_206 = arith.addf %add3A_200, %convert_element_type3A_205 : vector<1024x26xf32>
    %slice3A_207 = vector.extract_strided_slice %select_n3A_15 {offsets = [0, 32], sizes = [1024, 1], strides = [1, 1]} : vector<1024x50xi32> to vector<1024x1xi32>
    %eq3A_208 = vector.broadcast %slice3A_207 : vector<1024x1xi32> to vector<1024x26xi32>
    %eq3A_209 = arith.cmpi eq, %eq3A_208, %iota3A : vector<1024x26xi32>
    %convert_element_type3A_210 = arith.extui %eq3A_209 : vector<1024x26xi1> to vector<1024x26xi32>
    %convert_element_type3A_211 = arith.sitofp %convert_element_type3A_210 : vector<1024x26xi32> to vector<1024x26xf32>
    %add3A_212 = arith.addf %add3A_206, %convert_element_type3A_211 : vector<1024x26xf32>
    %slice3A_213 = vector.extract_strided_slice %select_n3A_15 {offsets = [0, 33], sizes = [1024, 1], strides = [1, 1]} : vector<1024x50xi32> to vector<1024x1xi32>
    %eq3A_214 = vector.broadcast %slice3A_213 : vector<1024x1xi32> to vector<1024x26xi32>
    %eq3A_215 = arith.cmpi eq, %eq3A_214, %iota3A : vector<1024x26xi32>
    %convert_element_type3A_216 = arith.extui %eq3A_215 : vector<1024x26xi1> to vector<1024x26xi32>
    %convert_element_type3A_217 = arith.sitofp %convert_element_type3A_216 : vector<1024x26xi32> to vector<1024x26xf32>
    %add3A_218 = arith.addf %add3A_212, %convert_element_type3A_217 : vector<1024x26xf32>
    %slice3A_219 = vector.extract_strided_slice %select_n3A_15 {offsets = [0, 34], sizes = [1024, 1], strides = [1, 1]} : vector<1024x50xi32> to vector<1024x1xi32>
    %eq3A_220 = vector.broadcast %slice3A_219 : vector<1024x1xi32> to vector<1024x26xi32>
    %eq3A_221 = arith.cmpi eq, %eq3A_220, %iota3A : vector<1024x26xi32>
    %convert_element_type3A_222 = arith.extui %eq3A_221 : vector<1024x26xi1> to vector<1024x26xi32>
    %convert_element_type3A_223 = arith.sitofp %convert_element_type3A_222 : vector<1024x26xi32> to vector<1024x26xf32>
    %add3A_224 = arith.addf %add3A_218, %convert_element_type3A_223 : vector<1024x26xf32>
    %slice3A_225 = vector.extract_strided_slice %select_n3A_15 {offsets = [0, 35], sizes = [1024, 1], strides = [1, 1]} : vector<1024x50xi32> to vector<1024x1xi32>
    %eq3A_226 = vector.broadcast %slice3A_225 : vector<1024x1xi32> to vector<1024x26xi32>
    %eq3A_227 = arith.cmpi eq, %eq3A_226, %iota3A : vector<1024x26xi32>
    %convert_element_type3A_228 = arith.extui %eq3A_227 : vector<1024x26xi1> to vector<1024x26xi32>
    %convert_element_type3A_229 = arith.sitofp %convert_element_type3A_228 : vector<1024x26xi32> to vector<1024x26xf32>
    %add3A_230 = arith.addf %add3A_224, %convert_element_type3A_229 : vector<1024x26xf32>
    %slice3A_231 = vector.extract_strided_slice %select_n3A_15 {offsets = [0, 36], sizes = [1024, 1], strides = [1, 1]} : vector<1024x50xi32> to vector<1024x1xi32>
    %eq3A_232 = vector.broadcast %slice3A_231 : vector<1024x1xi32> to vector<1024x26xi32>
    %eq3A_233 = arith.cmpi eq, %eq3A_232, %iota3A : vector<1024x26xi32>
    %convert_element_type3A_234 = arith.extui %eq3A_233 : vector<1024x26xi1> to vector<1024x26xi32>
    %convert_element_type3A_235 = arith.sitofp %convert_element_type3A_234 : vector<1024x26xi32> to vector<1024x26xf32>
    %add3A_236 = arith.addf %add3A_230, %convert_element_type3A_235 : vector<1024x26xf32>
    %slice3A_237 = vector.extract_strided_slice %select_n3A_15 {offsets = [0, 37], sizes = [1024, 1], strides = [1, 1]} : vector<1024x50xi32> to vector<1024x1xi32>
    %eq3A_238 = vector.broadcast %slice3A_237 : vector<1024x1xi32> to vector<1024x26xi32>
    %eq3A_239 = arith.cmpi eq, %eq3A_238, %iota3A : vector<1024x26xi32>
    %convert_element_type3A_240 = arith.extui %eq3A_239 : vector<1024x26xi1> to vector<1024x26xi32>
    %convert_element_type3A_241 = arith.sitofp %convert_element_type3A_240 : vector<1024x26xi32> to vector<1024x26xf32>
    %add3A_242 = arith.addf %add3A_236, %convert_element_type3A_241 : vector<1024x26xf32>
    %slice3A_243 = vector.extract_strided_slice %select_n3A_15 {offsets = [0, 38], sizes = [1024, 1], strides = [1, 1]} : vector<1024x50xi32> to vector<1024x1xi32>
    %eq3A_244 = vector.broadcast %slice3A_243 : vector<1024x1xi32> to vector<1024x26xi32>
    %eq3A_245 = arith.cmpi eq, %eq3A_244, %iota3A : vector<1024x26xi32>
    %convert_element_type3A_246 = arith.extui %eq3A_245 : vector<1024x26xi1> to vector<1024x26xi32>
    %convert_element_type3A_247 = arith.sitofp %convert_element_type3A_246 : vector<1024x26xi32> to vector<1024x26xf32>
    %add3A_248 = arith.addf %add3A_242, %convert_element_type3A_247 : vector<1024x26xf32>
    %slice3A_249 = vector.extract_strided_slice %select_n3A_15 {offsets = [0, 39], sizes = [1024, 1], strides = [1, 1]} : vector<1024x50xi32> to vector<1024x1xi32>
    %eq3A_250 = vector.broadcast %slice3A_249 : vector<1024x1xi32> to vector<1024x26xi32>
    %eq3A_251 = arith.cmpi eq, %eq3A_250, %iota3A : vector<1024x26xi32>
    %convert_element_type3A_252 = arith.extui %eq3A_251 : vector<1024x26xi1> to vector<1024x26xi32>
    %convert_element_type3A_253 = arith.sitofp %convert_element_type3A_252 : vector<1024x26xi32> to vector<1024x26xf32>
    %add3A_254 = arith.addf %add3A_248, %convert_element_type3A_253 : vector<1024x26xf32>
    %slice3A_255 = vector.extract_strided_slice %select_n3A_15 {offsets = [0, 40], sizes = [1024, 1], strides = [1, 1]} : vector<1024x50xi32> to vector<1024x1xi32>
    %eq3A_256 = vector.broadcast %slice3A_255 : vector<1024x1xi32> to vector<1024x26xi32>
    %eq3A_257 = arith.cmpi eq, %eq3A_256, %iota3A : vector<1024x26xi32>
    %convert_element_type3A_258 = arith.extui %eq3A_257 : vector<1024x26xi1> to vector<1024x26xi32>
    %convert_element_type3A_259 = arith.sitofp %convert_element_type3A_258 : vector<1024x26xi32> to vector<1024x26xf32>
    %add3A_260 = arith.addf %add3A_254, %convert_element_type3A_259 : vector<1024x26xf32>
    %slice3A_261 = vector.extract_strided_slice %select_n3A_15 {offsets = [0, 41], sizes = [1024, 1], strides = [1, 1]} : vector<1024x50xi32> to vector<1024x1xi32>
    %eq3A_262 = vector.broadcast %slice3A_261 : vector<1024x1xi32> to vector<1024x26xi32>
    %eq3A_263 = arith.cmpi eq, %eq3A_262, %iota3A : vector<1024x26xi32>
    %convert_element_type3A_264 = arith.extui %eq3A_263 : vector<1024x26xi1> to vector<1024x26xi32>
    %convert_element_type3A_265 = arith.sitofp %convert_element_type3A_264 : vector<1024x26xi32> to vector<1024x26xf32>
    %add3A_266 = arith.addf %add3A_260, %convert_element_type3A_265 : vector<1024x26xf32>
    %slice3A_267 = vector.extract_strided_slice %select_n3A_15 {offsets = [0, 42], sizes = [1024, 1], strides = [1, 1]} : vector<1024x50xi32> to vector<1024x1xi32>
    %eq3A_268 = vector.broadcast %slice3A_267 : vector<1024x1xi32> to vector<1024x26xi32>
    %eq3A_269 = arith.cmpi eq, %eq3A_268, %iota3A : vector<1024x26xi32>
    %convert_element_type3A_270 = arith.extui %eq3A_269 : vector<1024x26xi1> to vector<1024x26xi32>
    %convert_element_type3A_271 = arith.sitofp %convert_element_type3A_270 : vector<1024x26xi32> to vector<1024x26xf32>
    %add3A_272 = arith.addf %add3A_266, %convert_element_type3A_271 : vector<1024x26xf32>
    %slice3A_273 = vector.extract_strided_slice %select_n3A_15 {offsets = [0, 43], sizes = [1024, 1], strides = [1, 1]} : vector<1024x50xi32> to vector<1024x1xi32>
    %eq3A_274 = vector.broadcast %slice3A_273 : vector<1024x1xi32> to vector<1024x26xi32>
    %eq3A_275 = arith.cmpi eq, %eq3A_274, %iota3A : vector<1024x26xi32>
    %convert_element_type3A_276 = arith.extui %eq3A_275 : vector<1024x26xi1> to vector<1024x26xi32>
    %convert_element_type3A_277 = arith.sitofp %convert_element_type3A_276 : vector<1024x26xi32> to vector<1024x26xf32>
    %add3A_278 = arith.addf %add3A_272, %convert_element_type3A_277 : vector<1024x26xf32>
    %slice3A_279 = vector.extract_strided_slice %select_n3A_15 {offsets = [0, 44], sizes = [1024, 1], strides = [1, 1]} : vector<1024x50xi32> to vector<1024x1xi32>
    %eq3A_280 = vector.broadcast %slice3A_279 : vector<1024x1xi32> to vector<1024x26xi32>
    %eq3A_281 = arith.cmpi eq, %eq3A_280, %iota3A : vector<1024x26xi32>
    %convert_element_type3A_282 = arith.extui %eq3A_281 : vector<1024x26xi1> to vector<1024x26xi32>
    %convert_element_type3A_283 = arith.sitofp %convert_element_type3A_282 : vector<1024x26xi32> to vector<1024x26xf32>
    %add3A_284 = arith.addf %add3A_278, %convert_element_type3A_283 : vector<1024x26xf32>
    %slice3A_285 = vector.extract_strided_slice %select_n3A_15 {offsets = [0, 45], sizes = [1024, 1], strides = [1, 1]} : vector<1024x50xi32> to vector<1024x1xi32>
    %eq3A_286 = vector.broadcast %slice3A_285 : vector<1024x1xi32> to vector<1024x26xi32>
    %eq3A_287 = arith.cmpi eq, %eq3A_286, %iota3A : vector<1024x26xi32>
    %convert_element_type3A_288 = arith.extui %eq3A_287 : vector<1024x26xi1> to vector<1024x26xi32>
    %convert_element_type3A_289 = arith.sitofp %convert_element_type3A_288 : vector<1024x26xi32> to vector<1024x26xf32>
    %add3A_290 = arith.addf %add3A_284, %convert_element_type3A_289 : vector<1024x26xf32>
    %slice3A_291 = vector.extract_strided_slice %select_n3A_15 {offsets = [0, 46], sizes = [1024, 1], strides = [1, 1]} : vector<1024x50xi32> to vector<1024x1xi32>
    %eq3A_292 = vector.broadcast %slice3A_291 : vector<1024x1xi32> to vector<1024x26xi32>
    %eq3A_293 = arith.cmpi eq, %eq3A_292, %iota3A : vector<1024x26xi32>
    %convert_element_type3A_294 = arith.extui %eq3A_293 : vector<1024x26xi1> to vector<1024x26xi32>
    %convert_element_type3A_295 = arith.sitofp %convert_element_type3A_294 : vector<1024x26xi32> to vector<1024x26xf32>
    %add3A_296 = arith.addf %add3A_290, %convert_element_type3A_295 : vector<1024x26xf32>
    %slice3A_297 = vector.extract_strided_slice %select_n3A_15 {offsets = [0, 47], sizes = [1024, 1], strides = [1, 1]} : vector<1024x50xi32> to vector<1024x1xi32>
    %eq3A_298 = vector.broadcast %slice3A_297 : vector<1024x1xi32> to vector<1024x26xi32>
    %eq3A_299 = arith.cmpi eq, %eq3A_298, %iota3A : vector<1024x26xi32>
    %convert_element_type3A_300 = arith.extui %eq3A_299 : vector<1024x26xi1> to vector<1024x26xi32>
    %convert_element_type3A_301 = arith.sitofp %convert_element_type3A_300 : vector<1024x26xi32> to vector<1024x26xf32>
    %add3A_302 = arith.addf %add3A_296, %convert_element_type3A_301 : vector<1024x26xf32>
    %slice3A_303 = vector.extract_strided_slice %select_n3A_15 {offsets = [0, 48], sizes = [1024, 1], strides = [1, 1]} : vector<1024x50xi32> to vector<1024x1xi32>
    %eq3A_304 = vector.broadcast %slice3A_303 : vector<1024x1xi32> to vector<1024x26xi32>
    %eq3A_305 = arith.cmpi eq, %eq3A_304, %iota3A : vector<1024x26xi32>
    %convert_element_type3A_306 = arith.extui %eq3A_305 : vector<1024x26xi1> to vector<1024x26xi32>
    %convert_element_type3A_307 = arith.sitofp %convert_element_type3A_306 : vector<1024x26xi32> to vector<1024x26xf32>
    %add3A_308 = arith.addf %add3A_302, %convert_element_type3A_307 : vector<1024x26xf32>
    %slice3A_309 = vector.extract_strided_slice %select_n3A_15 {offsets = [0, 49], sizes = [1024, 1], strides = [1, 1]} : vector<1024x50xi32> to vector<1024x1xi32>
    %eq3A_310 = vector.broadcast %slice3A_309 : vector<1024x1xi32> to vector<1024x26xi32>
    %eq3A_311 = arith.cmpi eq, %eq3A_310, %iota3A : vector<1024x26xi32>
    %convert_element_type3A_312 = arith.extui %eq3A_311 : vector<1024x26xi1> to vector<1024x26xi32>
    %convert_element_type3A_313 = arith.sitofp %convert_element_type3A_312 : vector<1024x26xi32> to vector<1024x26xf32>
    %add3A_314 = arith.addf %add3A_308, %convert_element_type3A_313 : vector<1024x26xf32>
    %max3A = arith.constant 1.000000e+00 : f32
    %max3A_315 = vector.broadcast %max3A : f32 to vector<1024x26xf32>
    %max3A_316 = arith.maximumf %add3A_314, %max3A_315 : vector<1024x26xf32>
    %div3A = arith.constant 1.000000e+00 : f32
    %div3A_317 = vector.broadcast %div3A : f32 to vector<1024x26xf32>
    %div3A_318 = arith.divf %div3A_317, %max3A_316 : vector<1024x26xf32>
    %get3A_319 = arith.constant 0 : index
    %get3A_320 = arith.constant 0 : index
    %get3A_321 = vector.load %arg3[%get3A_319, %get3A_320] : memref<26x416xf32, #tpu.memory_space<vmem>>, vector<26x416xf32>
    %dot_general3A = arith.constant dense<0.000000e+00> : vector<1024x416xf32>
    %dot_general3A_322 = tpu.matmul %div3A_318, %get3A_321, %dot_general3A {dimension_numbers = #tpu.dot_dimension_numbers<[1], [0], [0], [1], [0, 0, 1, 1], [], []>, transpose_lhs_hint = false} : vector<1024x26xf32>, vector<26x416xf32>, vector<1024x416xf32> -> vector<1024x416xf32>
    %get3A_323 = arith.constant 0 : index
    %get3A_324 = arith.constant 0 : index
    %get3A_325 = vector.load %arg1[%get3A_323, %get3A_324] : memref<1024x416xf32, #tpu.memory_space<vmem>>, vector<1024x416xf32>
    %mul3A = arith.mulf %get3A_325, %dot_general3A_322 : vector<1024x416xf32>
    %get3A_326 = arith.constant 0 : index
    %get3A_327 = arith.constant 0 : index
    %get3A_328 = vector.load %arg4[%get3A_326, %get3A_327] : memref<416x64xf32, #tpu.memory_space<vmem>>, vector<416x64xf32>
    %dot_general3A_329 = arith.constant dense<0.000000e+00> : vector<1024x64xf32>
    %dot_general3A_330 = tpu.matmul %mul3A, %get3A_328, %dot_general3A_329 {dimension_numbers = #tpu.dot_dimension_numbers<[1], [0], [0], [1], [0, 0, 1, 1], [], []>, transpose_lhs_hint = false} : vector<1024x416xf32>, vector<416x64xf32>, vector<1024x64xf32> -> vector<1024x64xf32>
    %get3A_331 = arith.constant 0 : index
    %get3A_332 = arith.constant 0 : index
    %get3A_333 = vector.load %arg5[%get3A_331, %get3A_332] : memref<1x64xf32, #tpu.memory_space<vmem>>, vector<1x64xf32>
    %add3A_334 = vector.broadcast %get3A_333 : vector<1x64xf32> to vector<1024x64xf32>
    %add3A_335 = arith.addf %dot_general3A_330, %add3A_334 : vector<1024x64xf32>
    %max3A_336 = arith.constant 0.000000e+00 : f32
    %max3A_337 = vector.broadcast %max3A_336 : f32 to vector<1024x64xf32>
    %max3A_338 = arith.maximumf %add3A_335, %max3A_337 : vector<1024x64xf32>
    %get3A_339 = arith.constant 0 : index
    %get3A_340 = arith.constant 0 : index
    %get3A_341 = vector.load %arg6[%get3A_339, %get3A_340] : memref<64x16xf32, #tpu.memory_space<vmem>>, vector<64x16xf32>
    %dot_general3A_342 = arith.constant dense<0.000000e+00> : vector<1024x16xf32>
    %dot_general3A_343 = tpu.matmul %max3A_338, %get3A_341, %dot_general3A_342 {dimension_numbers = #tpu.dot_dimension_numbers<[1], [0], [0], [1], [0, 0, 1, 1], [], []>, transpose_lhs_hint = false} : vector<1024x64xf32>, vector<64x16xf32>, vector<1024x16xf32> -> vector<1024x16xf32>
    %get3A_344 = arith.constant 0 : index
    %get3A_345 = arith.constant 0 : index
    %get3A_346 = vector.load %arg7[%get3A_344, %get3A_345] : memref<1x16xf32, #tpu.memory_space<vmem>>, vector<1x16xf32>
    %add3A_347 = vector.broadcast %get3A_346 : vector<1x16xf32> to vector<1024x16xf32>
    %add3A_348 = arith.addf %dot_general3A_343, %add3A_347 : vector<1024x16xf32>
    %max3A_349 = arith.constant 0.000000e+00 : f32
    %max3A_350 = vector.broadcast %max3A_349 : f32 to vector<1024x16xf32>
    %max3A_351 = arith.maximumf %add3A_348, %max3A_350 : vector<1024x16xf32>
    %get3A_352 = arith.constant 0 : index
    %get3A_353 = arith.constant 0 : index
    %get3A_354 = vector.load %arg8[%get3A_352, %get3A_353] : memref<1x16xf32, #tpu.memory_space<vmem>>, vector<1x16xf32>
    %mul3A_355 = vector.broadcast %get3A_354 : vector<1x16xf32> to vector<1024x16xf32>
    %mul3A_356 = arith.mulf %max3A_351, %mul3A_355 : vector<1024x16xf32>
    %reduce_sum3A = arith.constant dense<0.000000e+00> : vector<1024xf32>
    %reduce_sum3A_357 = vector.multi_reduction <add>, %mul3A_356, %reduce_sum3A [1] : vector<1024x16xf32> to vector<1024xf32>
    %broadcast_in_dim3A_358 = vector.shape_cast %reduce_sum3A_357 : vector<1024xf32> to vector<1024x1xf32>
    %neg3A = arith.constant 0.000000e+00 : f32
    %neg3A_359 = vector.broadcast %neg3A : f32 to vector<1024x1xf32>
    %neg3A_360 = arith.subf %neg3A_359, %broadcast_in_dim3A_358 : vector<1024x1xf32>
    %exp3A = math.exp %neg3A_360 : vector<1024x1xf32>
    %add3A_361 = arith.constant 1.000000e+00 : f32
    %add3A_362 = vector.broadcast %add3A_361 : f32 to vector<1024x1xf32>
    %add3A_363 = arith.addf %add3A_362, %exp3A : vector<1024x1xf32>
    %div3A_364 = arith.constant 1.000000e+00 : f32
    %div3A_365 = vector.broadcast %div3A_364 : f32 to vector<1024x1xf32>
    %div3A_366 = arith.divf %div3A_365, %add3A_363 : vector<1024x1xf32>
    %swap3A = arith.constant 0 : index
    %swap3A_367 = arith.constant 0 : index
    %swap3A_368 = vector.load %arg9[%swap3A, %swap3A_367] : memref<1024x1xf32, #tpu.memory_space<vmem>>, vector<1024x1xf32>
    tpu.vector_store %arg9[%swap3A, %swap3A_367], %div3A_366 {strides = array<i32>} : memref<1024x1xf32, #tpu.memory_space<vmem>>, vector<1024x1xf32>,
    return
  }
  func.func @transform_0(%arg0: i32) -> (i32, i32) {
    %c0_i32 = arith.constant 0 : i32
    %c0_i32_0 = arith.constant 0 : i32
    return %arg0, %c0_i32 : i32, i32
  }
  func.func @transform_1(%arg0: i32) -> (i32, i32) {
    %c0_i32 = arith.constant 0 : i32
    %c0_i32_0 = arith.constant 0 : i32
    return %arg0, %c0_i32 : i32, i32
  }
  func.func @transform_2(%arg0: i32) -> (i32, i32) {
    %c0_i32 = arith.constant 0 : i32
    %c0_i32_0 = arith.constant 0 : i32
    %c0_i32_1 = arith.constant 0 : i32
    return %c0_i32, %c0_i32_0 : i32, i32
  }
  func.func @transform_3(%arg0: i32) -> (i32, i32) {
    %c0_i32 = arith.constant 0 : i32
    %c0_i32_0 = arith.constant 0 : i32
    %c0_i32_1 = arith.constant 0 : i32
    return %c0_i32, %c0_i32_0 : i32, i32
  }
  func.func @transform_4(%arg0: i32) -> (i32, i32) {
    %c0_i32 = arith.constant 0 : i32
    %c0_i32_0 = arith.constant 0 : i32
    %c0_i32_1 = arith.constant 0 : i32
    return %c0_i32, %c0_i32_0 : i32, i32
  }
  func.func @transform_5(%arg0: i32) -> (i32, i32) {
    %c0_i32 = arith.constant 0 : i32
    %c0_i32_0 = arith.constant 0 : i32
    %c0_i32_1 = arith.constant 0 : i32
    return %c0_i32, %c0_i32_0 : i32, i32
  }
  func.func @transform_6(%arg0: i32) -> (i32, i32) {
    %c0_i32 = arith.constant 0 : i32
    %c0_i32_0 = arith.constant 0 : i32
    %c0_i32_1 = arith.constant 0 : i32
    return %c0_i32, %c0_i32_0 : i32, i32
  }
  func.func @transform_7(%arg0: i32) -> (i32, i32) {
    %c0_i32 = arith.constant 0 : i32
    %c0_i32_0 = arith.constant 0 : i32
    %c0_i32_1 = arith.constant 0 : i32
    return %c0_i32, %c0_i32_0 : i32, i32
  }
  func.func @transform_8(%arg0: i32) -> (i32, i32) {
    %c0_i32 = arith.constant 0 : i32
    %c0_i32_0 = arith.constant 0 : i32
    return %arg0, %c0_i32 : i32, i32
  }
}

</mosaic_0001>

<sc_bundles>
// kernel: kernel.4.cloned.1.call-start
scs
__scs_entry_jumppad:
0x0: {  	(pc) =	sbr.rel $0x88, $3  }
0x1: {  	(tag) =	ssettag $0x0;
	lr =	simm.s32 $0x1  }
0x2: {  	[smem:$0x3F9A] =	sst lr;
	_ =	strace $0xD0000000  }
0x3: {  	_ = 	snop  }
0x4: {  	_ = 	snop  }
0x5: {  	_ = 	snop  }
0x6: {  	_ = 	snop  }
0x7: {  	_ = 	snop  }
__scs_overlays_trampoline_lowered:
0x8: {  	[smem:$0x3FA9] =	sst s0  }
0x9: {  	[smem:$0x3FAA] =	sst s1  }
0xa: {  	[smem:$0x3FAB] =	sst s2  }
0xb: {  	[smem:$0x3FAC] =	sst s3  }
0xc: {  	[smem:$0x3FAD] =	sst s4  }
0xd: {  	[smem:$0x3FAE] =	sst s5  }
0xe: {  	[smem:$0x3FAF] =	sst s6  }
0xf: {  	[smem:$0x3FB0] =	sst s7  }
0x10: {  	[smem:$0x3FB1] =	sst s8  }
0x11: {  	[smem:$0x3FB2] =	sst s9;
	s0 =	simm.s32 @!p0 $0x0  }
0x12: {  	s1 =	sld [smem:$0x3F98];
	s0 =	simm.s32 @p0 $0x1  }
0x13: {  	[smem:$0x3FB3] =	sst s0;
	s0 =	simm.s32 @!p1 $0x0  }
0x14: {  	s2 =	sld [smem:$0x3F97];
	s0 =	simm.s32 @p1 $0x1  }
0x15: {  	[smem:$0x3FB4] =	sst s0;
	s0 =	simm.s32 @!p2 $0x0  }
0x16: {  	s3 =	sld [smem:$0x3FDB];
	s0 =	simm.s32 @p2 $0x1  }
0x17: {  	s4 =	simm.s32 $0x1BF5;
	[smem:$0x3FB6] =	sst s0  }
0x18: {  	s0 =	sld [smem:$0x3F99];
	_ =	swait.ge [sflag:s4], $0x0  }
0x19: {  	s7 =	sld [smem:$0x3F9A]  }
0x1a: {  	s8 =	sadd.s32 $0xFFFFE003, lr  }
0x1b: {  	s9 =	sadd.s32 $0xFFFFFEF7, lr;
	s5 =	simm.s32 $0xFFFFFFFF;
	p2 =	slt.u32 s8, $0xFFFFF086  }
0x1c: {  	p1 =	slt.u32 s9, $0xF7A;
	s5 =	simm.s32 @!p2 $0x0  }
0x1d: {  	s5 =	simm.s32 @p1 $0x1;
	p0 =	seq.s32 s7, s2  }
0x1e: {  	s7 =	smul.u32 @!p0 $0xF7A, s2;
	p2 =	seq.s32 @!p0 s5, $0x0  }
0x1f: {  	s9 =	smul.u32 $0xF7A, s1;
	s8 =	simm.s32 @!p0 $0x1BF5;
	p2 =	por !p2, p0  }
0x20: {  	[sflag:s8] =	ssyncset.s32 @!p0 $0xFFFFF086;
	s6 =	sadd.s32 @!p0 s3, s7;
	s7 =	simm.s32 @!p0 $0x108  }
0x21: {  	s3 =	sadd.s32 s3, s9;
	s6 =	sadd.s32 @!p0 $0x88, s6;
	s7 =	simm.s32 @p2 $0x1082  }
0x22: {  	[simem:s7], [sflag:s8] =	dma.local @!p0 [hbm:s6], $0xF7A  }
0x23: {  	s9 =	sor.u32 $0xD0000000, s2;
	s6 =	simm.s32 $0x108;
	_ =	swait.ge @!p0 [sflag:s8], $0x0  }
0x24: {  	s3 =	sadd.s32 $0x88, s3;
	s6 =	simm.s32 @!p1 $0x1082;
	[sflag:s4] =	ssyncset.s32 $0xFFFFF086  }
0x25: {  	[simem:s6], [sflag:s4] =	dma.local [hbm:s3], $0xF7A  }
0x26: {  	[smem:$0x3F9A] =	sst s1;
	(tag) =	ssettag s2;
	_ =	strace s9  }
0x27: {  	s1 =	sld [smem:$0x3FAA]  }
0x28: {  	s2 =	sld [smem:$0x3FAB]  }
0x29: {  	s4 =	sld [smem:$0x3FAD]  }
0x2a: {  	p0 =	seq.s32 s5, $0x0;
	s5 =	sld [smem:$0x3FAE]  }
0x2b: {  	s6 =	sld [smem:$0x3FAF]  }
0x2c: {  	s7 =	sld [smem:$0x3FB0]  }
0x2d: {  	s3 =	simm.s32 $0x108;
	s8 =	sld [smem:$0x3FB1]  }
0x2e: {  	s3 =	simm.s32 @!p0 $0x1082;
	s9 =	sld [smem:$0x3FB2]  }
0x2f: {  	lr =	sadd.s32 s0, s3;
	s0 =	sld [smem:$0x3FA9]  }
0x30: {  	s3 =	sld [smem:$0x3FAC]  }
0x31: {  	[smem:$0x3FB5] =	sst s10  }
0x32: {  	s10 =	sld [smem:$0x3FB3];
	_ =	sdelay $0x3  }
0x33: {  	p0 =	seq.s32 s10, $0x1;
	s10 =	sld [smem:$0x3FB5];
	_ =	sdelay $0x3  }
0x34: {  	[smem:$0x3FB5] =	sst s10  }
0x35: {  	s10 =	sld [smem:$0x3FB4];
	_ =	sdelay $0x3  }
0x36: {  	p1 =	seq.s32 s10, $0x1;
	s10 =	sld [smem:$0x3FB5];
	_ =	sdelay $0x3  }
0x37: {  	[smem:$0x3FB5] =	sst s10  }
0x38: {  	s10 =	sld [smem:$0x3FB6]  }
0x39: {  	_ = 	snop;
	(pc) =	sbr.ind lr, $3  }
0x3a: {  	_ = 	snop  }
0x3b: {  	_ = 	snop  }
0x3c: {  	p2 =	seq.s32 s10, $0x1;
	s10 =	sld [smem:$0x3FB5]  }
0x3d: {  	_ =	shalt  }
0x3e: {  	_ =	shalt  }
0x3f: {  	_ =	shalt  }
0x40: {  	_ =	shalt  }
0x41: {  	_ =	shalt  }
0x42: {  	_ =	shalt  }
0x43: {  	_ =	shalt  }
0x44: {  	_ =	shalt  }
0x45: {  	_ =	shalt  }
0x46: {  	_ =	shalt  }
0x47: {  	_ =	shalt  }
0x48: {  	_ =	shalt  }
0x49: {  	_ =	shalt  }
0x4a: {  	_ =	shalt  }
0x4b: {  	_ =	shalt  }
0x4c: {  	_ =	shalt  }
0x4d: {  	_ =	shalt  }
0x4e: {  	_ =	shalt  }
0x4f: {  	_ =	shalt  }
0x50: {  	_ =	shalt  }
0x51: {  	_ =	shalt  }
0x52: {  	_ =	shalt  }
0x53: {  	_ =	shalt  }
0x54: {  	_ =	shalt  }
0x55: {  	_ =	shalt  }
0x56: {  	_ =	shalt  }
0x57: {  	_ =	shalt  }
0x58: {  	_ =	shalt  }
0x59: {  	_ =	shalt  }
0x5a: {  	_ =	shalt  }
0x5b: {  	_ =	shalt  }
0x5c: {  	_ =	shalt  }
0x5d: {  	_ =	shalt  }
0x5e: {  	_ =	shalt  }
0x5f: {  	_ =	shalt  }
0x60: {  	_ =	shalt  }
0x61: {  	_ =	shalt  }
0x62: {  	_ =	shalt  }
0x63: {  	_ =	shalt  }
0x64: {  	_ =	shalt  }
0x65: {  	_ =	shalt  }
0x66: {  	_ =	shalt  }
0x67: {  	_ =	shalt  }
0x68: {  	_ =	shalt  }
0x69: {  	_ =	shalt  }
0x6a: {  	_ =	shalt  }
0x6b: {  	_ =	shalt  }
0x6c: {  	_ =	shalt  }
0x6d: {  	_ =	shalt  }
0x6e: {  	_ =	shalt  }
0x6f: {  	_ =	shalt  }
0x70: {  	_ =	shalt  }
0x71: {  	_ =	shalt  }
0x72: {  	_ =	shalt  }
0x73: {  	_ =	shalt  }
0x74: {  	_ =	shalt  }
0x75: {  	_ =	shalt  }
0x76: {  	_ =	shalt  }
0x77: {  	_ =	shalt  }
0x78: {  	_ =	shalt  }
0x79: {  	_ =	shalt  }
0x7a: {  	_ =	shalt  }
0x7b: {  	_ =	shalt  }
0x7c: {  	_ =	shalt  }
0x7d: {  	_ =	shalt  }
0x7e: {  	_ =	shalt  }
0x7f: {  	_ =	shalt  }
0x80: {  	_ =	shalt  }
0x81: {  	_ =	shalt  }
0x82: {  	_ =	shalt  }
0x83: {  	_ =	shalt  }
0x84: {  	_ =	shalt  }
0x85: {  	_ =	shalt  }
0x86: {  	_ =	shalt  }
0x87: {  	_ =	shalt  }
.Lfunc_end0:
.L_simem_size_0:
called_computation_lowered:
.L_overlay_start_0:
0x88: {  	s2 =	sld [smem:$0x3FD9]  }
0x89: {  	s3 =	sld [smem:$0x3FFE];
	_ =	sdelay $0x1  }
0x8a: {  	s1 =	srdreg.scid  }
0x8b: {  	s0 =	sand.u32 $0x1, s1  }
0x8c: {  	s17 =	sshll.u32 s0, $0xA;
	s2 =	sadd.s32 s3, s2  }
0x8d: {  	s2 =	sadd.s32 s2, s17  }
0x8e: {  	[smem:$0x3FC1] =	sst s2  }
0x8f: {  	_ = 	snop  }
0x90: {  	s2 =	sld [smem:$0x3FD0];
	(tm) =	ssettm $0x1  }
0x91: {  	s18 =	sld [smem:$0x3FFB];
	_ =	sdelay $0x3  }
0x92: {  	_ =	strace s18  }
0x93: {  	s3 =	sld [smem:$0x3FFC];
	_ =	sdelay $0x3  }
0x94: {  	_ =	strace s3  }
0x95: {  	s3 =	sld [smem:$0x3FFD];
	_ =	sdelay $0x3  }
0x96: {  	_ =	strace s3  }
0x97: {  	_ =	strace $0x8FFFFFFF  }
0x98: {  	s19 =	sld [smem:$0x3FDB];
	_ =	sdelay $0x1  }
0x99: {  	s4 =	simm.s32 $_scs_section_size  }
0x9a: {  	s5 =	simm.s32 $_size__tile_overlayer_lowered;
	s6 =	simm.s32 $_tile_overlayer_lowered  }
0x9b: {  	s22 =	simm.s32 $0x1BFF;
	s21 =	sshll.u32 s6, $0x1;
	s3 =	sadd.s32 s4, s19  }
0x9c: {  	s7 =	simm.s32 $0x0;
	s20 =	sshll.u32 s5, $0x1;
	s5 =	sadd.s32 s21, s3  }
0x9d: {  	[timem:s7], [sflag:s22] =	dma.local [hbm:s5], s20  }
0x9e: {  	_ =	swait.ge [sflag:s22], s20  }
0x9f: {  	s4 =	ssub.s32 $0x0, s20;
	[sflag:s22] =	ssyncset.done $0x0  }
0xa0: {  	[sflag:s22] =	ssyncadd.s32 s4;
	_ =	sdelay $0x1  }
0xa1: {  	s23 =	simm.s32 $0x1B8B  }
0xa2: {  	_ =	swait.ge [sflag:s23], $0x1  }
0xa3: {  	[sflag:s23] =	ssyncset.done $0x0  }
0xa4: {  	s25 =	simm.s32 $0x1B8E;
	s24 =	sld [smem:$0x3FFE];
	[sflag:s23] =	ssyncadd.s32 $0xFFFFFFFF  }
0xa5: {  	s26 =	simm.s32 $execute0_lowered;
	[smem:$0x3FD2] =	sst s25  }
0xa6: {  	s5 =	sshll.u32 s26, $0x1;
	_ =	strace $0x80000046;
	[dreg:$0x1] =	wrdreg $0xFFFFFFFF  }
0xa7: {  	s28 =	simm.s32 $_size_execute0_lowered;
	s3 =	sadd.s32 s3, s5;
	[dreg:$0x0] =	wrdreg $0x0  }
0xa8: {  	s5 =	sshll.u32 s28, $0x1;
	[dreg:$0x2] =	wrdreg s3  }
0xa9: {  	[dreg:$0x3] =	wrdreg s5  }
0xaa: {  	[dreg:$0x4] =	wrdreg $0xC0  }
0xab: {  	_ =	task [dreg:s7], $0x5FFFF  }
0xac: {  	[dreg:$0x1] =	wrdreg $0xFFFFFFFF  }
0xad: {  	[dreg:$0x0] =	wrdreg $0x60  }
0xae: {  	[dreg:$0x2] =	wrdreg s24  }
0xaf: {  	[dreg:$0x3] =	wrdreg s2  }
0xb0: {  	[dreg:$0x4] =	wrdreg $0x155800  }
0xb1: {  	[dreg:$0x5] =	wrdreg $0x9  }
0xb2: {  	_ =	task.clear_ibuf [dreg:s7], $0x6FFFF;
	_ =	strace $0x90000046  }
0xb3: {  	s29 =	simm.s32 $0x9;
	_ =	strace $0x80000048  }
0xb4: {  	_ =	swait.ge [sflag:s29], $0x1  }
0xb5: {  	[sflag:s29] =	ssyncadd.s32 $0xFFFFFFFF  }
0xb6: {  	_ =	strace $0x90000048  }
0xb7: {  	_ =	sfence  }
0xb8: {  	s30 =	sld [smem:$0x0];
	_ =	sdelay $0x2  }
0xb9: {  	s31 =	sshll.u32 s1, $0xD;
	s1 =	sshrl.u32 s1, $0x2  }
0xba: {  	s3 =	sand.u32 $0x4000, s31;
	s1 =	sadd.s32 s1, s30  }
0xbb: {  	s0 =	sor.u32 s3, s0;
	s1 =	sshll.u32 s1, $0x11  }
0xbc: {  	s0 =	sor.u32 s1, s0  }
0xbd: {  	s0 =	sadd.s32 $0x8F2B, s0  }
0xbe: {  	[sflag:s0] =	ssyncadd.remote.s32 $0x1  }
0xbf: {  	_ =	sfence.sel $0xFFFF  }
0xc0: {  	[dreg:$0x0] =	wrdreg $0xFFFFFFFF;
	(pc) =	sbr.abs _section_cstart, $3  }
0xc1: {  	[dreg:$0x1] =	wrdreg $0xFFFFFFFF  }
0xc2: {  	_ =	task.clear_ibuf [dreg:s7], $0x2FFFF;
	_ =	strace $0x9FFFFFFF  }
0xc3: {  	(tm) =	ssettm $0x7FFFFFFF  }
tec
execute0_lowered:
.L_overlay_start_1:
0x0: {  	(tag) =	ssettag $0x1  }
0x1: {  	s0 =	rddreg [dreg:$0x0]  }
0x2: {  	s5 =	rddreg [dreg:$0x2];
	s3 =	stileid.u32  }
0x3: {  	s2 =	simm.s32 $0x0;
	s23 =	srdreg.scid;
	s1 =	smul.u32 $0x680, s3  }
0x4: {  	[smem:$0x7FF] =	sst s2;
	s7 =	sadd.s32 $0xF43400, s0;
	s2 =	sand.u32 $0x1, s23  }
0x5: {  	s24 =	sadd.s32 $0x1000, s0;
	s4 =	smul.u32 $0x1A000, s3;
	s0 =	sadd.s32 $0x1A000, s0  }
0x6: {  	v0 =	vimm.s32 $0xECA86420;
	v1 =	vimm.f32 $0.0e+00;
	vm0 =	vcmask $0xB08;
	s6 =	sshll.u32 s3, $0x1;
	_ =	strace $0x80000047;
	[dreg:$0x7] =	wrdreg s24  }
0x7: {  	vm1 =	vcmask $0x1310;
	vm2 =	vcmask $0x1B18;
	vm4 =	vcmask $0x300;
	s25 =	ssub.s32 $0x2, s2;
	[dreg:$0x8] =	wrdreg s0;
	s28 =	sor.u32 s2, s6  }
0x8: {  	vm6 =	vcmask $0x2B28;
	v2 =	vunpack.c.l.s4.s8 v0;
	[dreg:$0x6] =	wrdreg s7;
	v0 =	vmov s1;
	s30 =	smul.u32 $0x6400, s28;
	s1 =	sshll.u32 s28, $0x3  }
0x9: {  	vm7 =	vcmask $0x3330;
	vm13 =	vcmask $0x3B38;
	v3 =	vlaneseq.u32;
	s26 =	sshrl.u32 s25, $0x1;
	s29 =	sshrl.u32 s4, $0x2;
	[dreg:$0xb] =	wrdreg s1  }
0xa: {  	vm8 =	vmmov $0xff;
	vm9 =	vcmask $0x704;
	vm11 =	vcmask $0xF0C;
	s0 =	ssub.s32 s25, s26;
	s31 =	sadd.s32 s29, s5;
	[dreg:$0x9] =	wrdreg s30  }
0xb: {  	vm12 =	vcmask $0x1714;
	vm5 =	vcmask $0x1F1C;
	vm15 =	vcmask $0x2F2C;
	s0 =	smax.u32 s0, $0x1;
	[dreg:$0xa] =	wrdreg s31  }
0xc: {  	s8 =	simm.s32 $0x1;
	vm3 =	vcmask $0x3734;
	v3 =	vmul.u32 $0x2, v3;
	v2 =	vunpack.c.0.s8.s32 v2;
	s1 =	simm.s32 $0x0;
	[dreg:$0xc] =	wrdreg s0  }
.LBB2_1:
0xd: {  	[dreg:$0xd] =	wrdreg s1  }
0xe: {  	s0 =	rddreg [dreg:$0x1];
	s31 =	simm.s32 $0x0;
	s2 =	simm.s32 $0x1900  }
0xf: {  	[tilespmem:s2], [sflag:$0x1] =	stream.linear.gather [hbm4b:s0+s31], $0xC80, $0x38;
	[tilespmem:$0x1BD80] =	vst v63  }
0x10: {  	_ =	swait.ge [sflag:s8], $0xC80  }
0x11: {  	[sflag:s8] =	ssyncset.done $0x0  }
0x12: {  	s1 =	simm.s32 $0x0;
	s0 =	simm.s32 $0x40;
	[sflag:s8] =	ssyncadd.s32 $0xFFFFF380  }
.LBB2_2:
0x13: {  	p0 =	sne.s32 s0, $0x19FC0;
	[tilespmem:s1+$0xED80] =	vst v1;
	s1 =	smov.u32 s0;
	s0 =	sadd.s32 $0x40, s0  }
.Ltmp0:
0x14: {  	(pc) =	sbr.rel @p0 .LBB2_2-.Ltmp0, $2  }
0x15: {  	_ =	sdelay $0x2  }
0x16: {  	s1 =	sshra.s32 s1, $0x2  }
0x17: {  	[tilespmem:s1+$0xED80] =	vst v1;
	s3 =	simm.s32 $0x0  }
.LBB2_4:
0x18: {  	s0 =	smul.u32 $0xC80, s3  }
0x19: {  	s1 =	rddreg [dreg:$0x9]  }
0x1a: {  	s0 =	sadd.s32 s1, s0  }
0x1b: {  	s18 =	rddreg [dreg:$0x7];
	s0 =	sshrl.u32 s0, $0x3  }
0x1c: {  	[dreg:$0xe] =	wrdreg s3;
	s19 =	simm.s32 $0x0;
	s0 =	sadd.s32 s18, s0  }
0x1d: {  	[tilespmem:s19], [sflag:$0x1] =	stream.linear.gather [hbm4b:s0+s19], $0xC80, $0x38;
	[tilespmem:$0x1BD80] =	vst v63  }
0x1e: {  	_ =	swait.ge [sflag:s8], $0xC80  }
0x1f: {  	[sflag:s8] =	ssyncset.done $0x0  }
0x20: {  	s3 =	simm.s32 $0x0;
	[sflag:s8] =	ssyncadd.s32 $0xFFFFF380  }
0x21: {  	v4 =	vld [tilespmem:s3+$0x0];
	_ =	sdelay $0x4  }
0x22: {  	(v2sf) =	vpush v4, $0x2  }
0x23: {  	(v2sf) =	vpush v4, $0x1;
	_ =	sdelay $0x1  }
0x24: {  	(v2sf) =	vpush v4, $0x0;
	_ =	sdelay $0x1  }
0x25: {  	(v2sf) =	vpush v4, $0x7;
	_ =	sdelay $0x1  }
0x26: {  	(v2sf) =	vpush v4, $0x6;
	_ =	sdelay $0x1  }
0x27: {  	(v2sf) =	vpush v4, $0x3;
	_ =	sdelay $0x1  }
0x28: {  	(v2sf) =	vpush v4, $0x4  }
0x29: {  	(v2sf) =	vpush v4, $0xF;
	_ =	sdelay $0x2  }
0x2a: {  	(v2sf) =	vpush v4, $0xC;
	s20 =	spop (v2sf)  }
0x2b: {  	s21 =	spop (v2sf);
	s0 =	smulhi.u32 $0x4EC4EC4F, s20  }
0x2c: {  	s13 =	sshra.s32 s20, $0x1F;
	s29 =	smulhi.u32 $0x4EC4EC4F, s21  }
0x2d: {  	(v2sf) =	vpush v4, $0x8;
	s2 =	spop (v2sf);
	s25 =	smul.u32 $0x4EC4EC4F, s13  }
0x2e: {  	s1 =	sshra.s32 s21, $0x1F;
	s7 =	smulhi.u32 $0x4EC4EC4F, s2  }
0x2f: {  	(v2sf) =	vpush v4, $0x9;
	s6 =	spop (v2sf);
	s1 =	smul.u32 $0x4EC4EC4F, s1  }
0x30: {  	(v2sf) =	vpush v4, $0xD;
	s2 =	sshra.s32 s2, $0x1F;
	s9 =	smulhi.u32 $0x4EC4EC4F, s6  }
0x31: {  	(v2sf) =	vpush v4, $0x5;
	s22 =	spop (v2sf);
	s2 =	smul.u32 $0x4EC4EC4F, s2  }
0x32: {  	s24 =	simm.s32 $0x80;
	s6 =	sshra.s32 s6, $0x1F;
	s11 =	smulhi.u32 $0x4EC4EC4F, s22  }
0x33: {  	(v2sf) =	vpush v4, $0xE;
	s0 =	sadd.s32 s25, s0;
	s10 =	spop (v2sf);
	s16 =	smul.u32 $0x4EC4EC4F, s6  }
0x34: {  	s8 =	sshra.s32 s22, $0x1F;
	s17 =	sshra.s32 s10, $0x1F;
	s10 =	smulhi.u32 $0x4EC4EC4F, s10  }
0x35: {  	s14 =	spop (v2sf);
	s2 =	sadd.s32 s2, s7;
	s8 =	smul.u32 $0x4EC4EC4F, s8  }
0x36: {  	s12 =	spop (v2sf);
	s15 =	sshra.s32 s14, $0x1F;
	s30 =	smul.u32 $0x4EC4EC4F, s17  }
0x37: {  	(v2sf) =	vpush v4, $0xA;
	s28 =	sshra.s32 s2, $0x3;
	s21 =	sadd.s32 s16, s9;
	s17 =	sadd.s32 s1, s29  }
0x38: {  	s7 =	sshrl.u32 s2, $0x1F;
	s2 =	sshra.s32 s2, $0x1F;
	s4 =	smulhi.u32 $0x4EC4EC4F, s12  }
0x39: {  	s12 =	sshra.s32 s12, $0x1F;
	s18 =	spop (v2sf);
	s15 =	smul.u32 $0x4EC4EC4F, s15  }
0x3a: {  	s9 =	sshra.s32 s21, $0x1F;
	s25 =	sadd.s32 s8, s11;
	s8 =	sshra.s32 s0, $0x3  }
0x3b: {  	(v2sf) =	vpush v4, $0xB;
	v7 =	vmov s7;
	s7 =	sshra.s32 s0, $0x1F;
	s23 =	smul.u32 $0x4EC4EC4F, s12;
	s20 =	sshra.s32 s18, $0x1F  }
0x3c: {  	s13 =	spop (v2sf);
	s5 =	smulhi.u32 $0x4EC4EC4F, s18;
	s10 =	sadd.s32 s30, s10  }
0x3d: {  	s18 =	sshrl.u32 s0, $0x1F;
	v6 =	vmov s9;
	[dreg:$0x5] =	wrdreg s4;
	s20 =	smul.u32 $0x4EC4EC4F, s20  }
0x3e: {  	s31 =	sshra.s32 s13, $0x1F;
	s4 =	spop (v2sf);
	v6 =	vsel vm4, s28, v6;
	s28 =	smulhi.u32 $0x4EC4EC4F, s14  }
0x3f: {  	s9 =	sshra.s32 s10, $0x1F;
	s30 =	sadd.s32 s20, s5;
	s16 =	spop (v2sf)  }
0x40: {  	s20 =	simm.s32 $0x10;
	s19 =	spop (v2sf);
	s12 =	smulhi.u32 $0x4EC4EC4F, s16  }
0x41: {  	s26 =	sshra.s32 s4, $0x1F;
	v5 =	vld [tilespmem:s20+$0x0];
	s22 =	sshra.s32 s19, $0x1F;
	s5 =	smulhi.u32 $0x4EC4EC4F, s19  }
0x42: {  	s6 =	sshra.s32 s16, $0x1F;
	s16 =	spop (v2sf);
	s1 =	smul.u32 $0x4EC4EC4F, s22  }
0x43: {  	s6 =	smul.u32 $0x4EC4EC4F, s6;
	s19 =	sshrl.u32 s10, $0x1F;
	s11 =	sshra.s32 s16, $0x1F  }
0x44: {  	s22 =	sshra.s32 s17, $0x3;
	s29 =	sadd.s32 s1, s5;
	s1 =	smulhi.u32 $0x4EC4EC4F, s16  }
0x45: {  	vm10 =	vmmov vm15;
	v6 =	vsel vm9, s2, v6;
	s12 =	sadd.s32 s6, s12;
	s6 =	sshra.s32 s10, $0x3;
	s16 =	smulhi.u32 $0x4EC4EC4F, s4  }
0x46: {  	vm15 =	vcmask $0x2320;
	(v2sf) =	vpush v5, $0x2;
	v6 =	vsel vm0, s22, v6;
	s4 =	sshra.s32 s17, $0x1F;
	s5 =	spop (v2sf);
	s17 =	sshrl.u32 s17, $0x1F  }
0x47: {  	vm14 =	vmmov vm10;
	(v2sf) =	vpush v5, $0x1;
	v6 =	vsel vm11, s4, v6;
	s14 =	smulhi.u32 $0x4EC4EC4F, s5;
	s0 =	sshra.s32 s29, $0x3;
	s4 =	sshrl.u32 s12, $0x1F  }
0x48: {  	v7 =	vnsel vm4, $0x0, v7;
	(v2sf) =	vpush v5, $0x0;
	s22 =	sshra.s32 s5, $0x1F;
	s2 =	sshra.s32 s29, $0x1F;
	s5 =	simm.s32 $0x0;
	v6 =	vsel vm1, s8, v6  }
0x49: {  	(v2sf) =	vpush v5, $0x7;
	v7 =	vsel vm0, s17, v7;
	s17 =	sadd.s32 s15, s28;
	s8 =	smul.u32 $0x4EC4EC4F, s31;
	[dreg:$0x4] =	wrdreg s5;
	v6 =	vsel vm12, s7, v6  }
0x4a: {  	(v2sf) =	vpush v5, $0x6;
	s31 =	sshra.s32 s25, $0x3;
	v9 =	vsel vm1, s18, v7;
	s10 =	smul.u32 $0x4EC4EC4F, s22;
	s18 =	spop (v2sf);
	v7 =	vld [tilespmem:s20+$0x1900];
	v8 =	vsel vm2, s6, v6  }
0x4b: {  	(v2sf) =	vpush v5, $0x3;
	v9 =	vsel vm2, s19, v9;
	s7 =	sshrl.u32 s17, $0x1F;
	v6 =	vld [tilespmem:s3+$0x1900];
	s6 =	smulhi.u32 $0x4EC4EC4F, s13;
	v8 =	vsel vm5, s9, v8;
	s9 =	sshra.s32 s18, $0x1F  }
.LBB2_5:
0x4c: {  	s28 =	sshrl.u32 s30, $0x1F;
	s3 =	smul.u32 $0x4EC4EC4F, s11;
	s5 =	sshra.s32 s30, $0x3  }
0x4d: {  	s30 =	smov.u32 s24;
	s13 =	rddreg [dreg:$0x4];
	s19 =	smov.u32 s20  }
0x4e: {  	s18 =	smulhi.u32 $0x4EC4EC4F, s18;
	s22 =	sshra.s32 s12, $0x3;
	s15 =	rddreg [dreg:$0x5]  }
0x4f: {  	s11 =	smov.u32 s13;
	[dreg:$0x4] =	wrdreg s19;
	s13 =	sshra.s32 s17, $0x3  }
0x50: {  	s12 =	sadd.s32 s23, s15;
	s6 =	sadd.s32 s8, s6;
	s19 =	smul.u32 $0x4EC4EC4F, s26  }
0x51: {  	s17 =	sshra.s32 s17, $0x1F;
	s20 =	sadd.s32 s10, s14;
	s14 =	smul.u32 $0x4EC4EC4F, s9  }
0x52: {  	(v2sf) =	vpush v5, $0x4;
	vm10 =	vcmask $0x2724;
	v10 =	vmov s5;
	s23 =	sshrl.u32 s29, $0x1F;
	s26 =	sshra.s32 s25, $0x1F;
	s10 =	sshrl.u32 s25, $0x1F  }
0x53: {  	(v2sf) =	vpush v5, $0xF;
	v8 =	vsel vm15, s13, v8;
	v10 =	vsel vm0, s22, v10;
	s15 =	sshra.s32 s6, $0x3;
	s22 =	sadd.s32 s3, s1;
	s6 =	sshrl.u32 s6, $0x1F  }
0x54: {  	v11 =	vmov s28;
	(v2sf) =	vpush v5, $0xC;
	s8 =	sshrl.u32 s20, $0x1F;
	v8 =	vsel vm10, s17, v8;
	s17 =	sshra.s32 s20, $0x3;
	s3 =	sshra.s32 s22, $0x3  }
0x55: {  	v11 =	vsel vm0, s4, v11;
	s4 =	sadd.s32 s19, s16;
	s5 =	sadd.s32 s14, s18;
	s19 =	sshrl.u32 s21, $0x1F  }
0x56: {  	(v2sf) =	vpush v5, $0x8;
	v12 =	vmov s15;
	s15 =	sshra.s32 s4, $0x3;
	s18 =	sshrl.u32 s4, $0x1F;
	s14 =	spop (v2sf)  }
0x57: {  	v9 =	vsel vm15, s7, v9;
	v13 =	vmov s6;
	(v2sf) =	vpush v5, $0x9;
	s4 =	spop (v2sf);
	s9 =	sshra.s32 s14, $0x1F;
	s14 =	smulhi.u32 $0x4EC4EC4F, s14  }
0x58: {  	s20 =	sshra.s32 s21, $0x3;
	v8 =	vsel vm6, s0, v8;
	s16 =	sshra.s32 s5, $0x3;
	(v2sf) =	vpush v5, $0xD;
	v13 =	vsel vm0, s18, v13;
	s1 =	smulhi.u32 $0x4EC4EC4F, s4  }
0x59: {  	v9 =	vsel vm6, s23, v9;
	v8 =	vsel vm14, s2, v8;
	v13 =	vsel vm1, s8, v13;
	s8 =	sshrl.u32 s5, $0x1F;
	s21 =	spop (v2sf);
	s5 =	smul.u32 $0x4EC4EC4F, s9  }
0x5a: {  	s13 =	sshra.s32 s12, $0x3;
	v9 =	vsel vm7, s10, v9;
	v10 =	vsel vm1, s3, v10;
	v8 =	vsel vm7, s31, v8;
	s4 =	sshra.s32 s4, $0x1F;
	s23 =	smulhi.u32 $0x4EC4EC4F, s21  }
0x5b: {  	s0 =	sshrl.u32 s22, $0x1F;
	v9 =	vsel vm13, s19, v9;
	v12 =	vsel vm0, s15, v12;
	v8 =	vsel vm3, s26, v8;
	s26 =	spop (v2sf);
	s4 =	smul.u32 $0x4EC4EC4F, s4  }
0x5c: {  	s22 =	sshrl.u32 s12, $0x1F;
	v10 =	vsel vm2, s13, v10;
	v11 =	vsel vm1, s0, v11;
	v12 =	vsel vm1, s17, v12;
	s18 =	sshra.s32 s21, $0x1F;
	s19 =	smulhi.u32 $0x4EC4EC4F, s26  }
0x5d: {  	p0 =	sne.s32 s24, $0x31C0;
	v11 =	vsel vm2, s22, v11;
	v13 =	vsel vm2, s8, v13;
	v12 =	vsel vm2, s16, v12;
	s10 =	spop (v2sf);
	s6 =	smul.u32 $0x4EC4EC4F, s18  }
0x5e: {  	s28 =	sadd.s32 $0x40, s24;
	v8 =	vsel vm13, s20, v8;
	v11 =	vcombine.low v13, v11;
	v10 =	vcombine.low v12, v10;
	s17 =	sshra.s32 s26, $0x1F;
	s0 =	smulhi.u32 $0x4EC4EC4F, s10  }
0x5f: {  	v9 =	vperm.xlane v9, v3;
	(v2sf) =	vpush v5, $0x5;
	v8 =	vperm.xlane v8, v3;
	s5 =	sadd.s32 s5, s14;
	s16 =	spop (v2sf);
	s15 =	smul.u32 $0x4EC4EC4F, s17  }
0x60: {  	v11 =	vperm.xlane v11, v2;
	v10 =	vperm.xlane v10, v2;
	s10 =	sshra.s32 s10, $0x1F;
	s1 =	sadd.s32 s4, s1;
	s4 =	sshra.s32 s5, $0x3  }
0x61: {  	(v2sf) =	vpush v5, $0xE;
	s31 =	sshrl.u32 s5, $0x1F;
	s20 =	sshra.s32 s16, $0x1F;
	s2 =	spop (v2sf)  }
0x62: {  	v9 =	vsel vm8, v9, v11;
	v8 =	vsel vm8, v8, v10;
	s12 =	sadd.s32 s6, s23;
	s16 =	smulhi.u32 $0x4EC4EC4F, s16;
	s25 =	spop (v2sf)  }
0x63: {  	v8 =	vadd.s32 v9, v8;
	s10 =	smul.u32 $0x4EC4EC4F, s10;
	s22 =	sshra.s32 s2, $0x1F;
	s13 =	spop (v2sf);
	(v2sf) =	vpush v5, $0xA  }
0x64: {  	v8 =	vmul.u32 $0x1A, v8;
	s29 =	sshra.s32 s12, $0x3;
	s21 =	sadd.s32 s15, s19;
	s19 =	smul.u32 $0x4EC4EC4F, s20  }
0x65: {  	s20 =	sshra.s32 s30, $0x2;
	s26 =	smulhi.u32 $0x4EC4EC4F, s25;
	s6 =	spop (v2sf)  }
0x66: {  	v8 =	vsub.s32 v4, v8;
	v4 =	vmov v5;
	s7 =	sshra.s32 s25, $0x1F;
	s17 =	smul.u32 $0x4EC4EC4F, s22;
	s8 =	spop (v2sf)  }
0x67: {  	s9 =	sshra.s32 s21, $0x1F;
	s23 =	smul.u32 $0x4EC4EC4F, s7;
	s22 =	spop (v2sf);
	(v2sf) =	vpush v4, $0xB  }
0x68: {  	vm10 =	vmmov vm9;
	s25 =	sshra.s32 s13, $0x1F;
	v9 =	vmov s9;
	s13 =	smulhi.u32 $0x4EC4EC4F, s13;
	s3 =	sadd.s32 s19, s16  }
0x69: {  	vm9 =	vlt.s32 v8, $0x0;
	v5 =	vadd.s32 $0x1A, v8;
	[dreg:$0x5] =	wrdreg s26;
	s7 =	sshra.s32 s6, $0x1F;
	v9 =	vsel vm4, s29, v9;
	s29 =	sshrl.u32 s12, $0x1F  }
0x6a: {  	v10 =	vadd.s32 v0, v6;
	v5 =	vsel vm9, v5, v8;
	s25 =	smul.u32 $0x4EC4EC4F, s25;
	s12 =	sshra.s32 s12, $0x1F;
	s19 =	sshrl.u32 s3, $0x1F  }
0x6b: {  	v5 =	vadd.s32 v5, v10;
	s6 =	smulhi.u32 $0x4EC4EC4F, s6;
	s26 =	sshra.s32 s8, $0x1F;
	v8 =	vsel vm10, s12, v9;
	s12 =	sshra.s32 s1, $0x1F  }
0x6c: {  	[tilespmem:s11+$0xC80] =	vst v5;
	s18 =	sshra.s32 s22, $0x1F;
	s9 =	smulhi.u32 $0x4EC4EC4F, s22;
	s22 =	sshra.s32 s1, $0x3  }
0x6d: {  	v5 =	vld [tilespmem:s20+$0x0];
	s30 =	sadd.s32 s25, s13;
	s13 =	sshra.s32 s3, $0x3;
	v8 =	vsel vm0, s22, v8;
	s22 =	smulhi.u32 $0x4EC4EC4F, s2  }
0x6e: {  	s25 =	sadd.s32 s10, s0;
	v8 =	vsel vm11, s12, v8;
	s12 =	smul.u32 $0x4EC4EC4F, s18;
	s24 =	spop (v2sf)  }
0x6f: {  	v11 =	vmov s29;
	s10 =	sshra.s32 s5, $0x1F;
	s29 =	sshra.s32 s24, $0x1F;
	s24 =	smulhi.u32 $0x4EC4EC4F, s24  }
0x70: {  	s2 =	sshra.s32 s3, $0x1F;
	s16 =	smul.u32 $0x4EC4EC4F, s29;
	s15 =	spop (v2sf)  }
0x71: {  	v9 =	vnsel vm4, $0x0, v11;
	s18 =	sshrl.u32 s1, $0x1F;
	s17 =	sadd.s32 s17, s22;
	s1 =	smulhi.u32 $0x4EC4EC4F, s15  }
0x72: {  	v9 =	vsel vm0, s18, v9;
	s29 =	sadd.s32 s16, s24;
	s16 =	smulhi.u32 $0x4EC4EC4F, s8;
	s3 =	spop (v2sf);
	(v2sf) =	vpush v5, $0x2  }
.Ltmp1:
0x73: {  	s12 =	sadd.s32 s12, s9;
	v9 =	vsel vm1, s31, v9;
	s31 =	sshra.s32 s25, $0x3;
	(v2sf) =	vpush v5, $0x1;
	(pc) =	sbr.rel @p0 .LBB2_5-.Ltmp1, $4  }
0x74: {  	v8 =	vsel vm1, s4, v8;
	s4 =	sshrl.u32 s12, $0x1F;
	s11 =	sshra.s32 s15, $0x1F;
	s8 =	smul.u32 $0x4EC4EC4F, s7;
	(v2sf) =	vpush v5, $0x0  }
0x75: {  	v8 =	vsel vm12, s10, v8;
	s7 =	sshrl.u32 s17, $0x1F;
	s24 =	smov.u32 s28;
	s0 =	sshra.s32 s29, $0x3;
	(v2sf) =	vpush v5, $0x7  }
0x76: {  	vm9 =	vmmov vm10;
	v8 =	vsel vm2, s13, v8;
	s14 =	smulhi.u32 $0x4EC4EC4F, s3;
	s3 =	sshra.s32 s3, $0x1F;
	s18 =	spop (v2sf);
	(v2sf) =	vpush v5, $0x6  }
0x77: {  	v6 =	vmovc v7;
	v7 =	vld [tilespmem:s20+$0x1900];
	v9 =	vsel vm2, s19, v9;
	v8 =	vsel vm5, s2, v8;
	s2 =	sshra.s32 s29, $0x1F;
	s10 =	smul.u32 $0x4EC4EC4F, s3;
	s9 =	sshra.s32 s18, $0x1F;
	(v2sf) =	vpush v5, $0x3  }
0x78: {  	_ =	sdelay $0x1  }
0x79: {  	(v2sf) =	vpush v5, $0x4;
	_ =	sdelay $0x1  }
0x7a: {  	(v2sf) =	vpush v5, $0xF  }
0x7b: {  	s3 =	smul.u32 $0x4EC4EC4F, s11  }
0x7c: {  	s19 =	smulhi.u32 $0x4EC4EC4F, s18;
	(v2sf) =	vpush v5, $0xC  }
0x7d: {  	s22 =	smul.u32 $0x4EC4EC4F, s26  }
0x7e: {  	s28 =	smul.u32 $0x4EC4EC4F, s9;
	[dreg:$0x15] =	wrdreg s3  }
0x7f: {  	[dreg:$0x16] =	wrdreg s19;
	s5 =	spop (v2sf)  }
0x80: {  	[dreg:$0x1b] =	wrdreg s28;
	s13 =	spop (v2sf)  }
0x81: {  	s28 =	smulhi.u32 $0x4EC4EC4F, s5;
	s24 =	spop (v2sf)  }
0x82: {  	[dreg:$0x1a] =	wrdreg s22;
	s19 =	spop (v2sf)  }
0x83: {  	s9 =	smulhi.u32 $0x4EC4EC4F, s24;
	[smem:$0x7F7] =	sst s28  }
0x84: {  	s18 =	sshra.s32 s24, $0x1F;
	s26 =	spop (v2sf);
	s11 =	smulhi.u32 $0x4EC4EC4F, s19  }
0x85: {  	(v2sf) =	vpush v5, $0x8;
	s19 =	sshra.s32 s19, $0x1F;
	s15 =	smul.u32 $0x4EC4EC4F, s18;
	s24 =	spop (v2sf)  }
0x86: {  	(v2sf) =	vpush v5, $0x9;
	s18 =	smul.u32 $0x4EC4EC4F, s19;
	[dreg:$0x1d] =	wrdreg s11  }
0x87: {  	s5 =	sshra.s32 s5, $0x1F;
	[dreg:$0x1f] =	wrdreg s15;
	s11 =	spop (v2sf)  }
0x88: {  	s15 =	smul.u32 $0x4EC4EC4F, s5;
	[smem:$0x7F6] =	sst s18  }
0x89: {  	s19 =	spop (v2sf);
	s18 =	sshra.s32 s24, $0x1F;
	s24 =	smulhi.u32 $0x4EC4EC4F, s24  }
0x8a: {  	(v2sf) =	vpush v5, $0xD;
	[dreg:$0x1c] =	wrdreg s9;
	s22 =	smulhi.u32 $0x4EC4EC4F, s19  }
0x8b: {  	(v2sf) =	vpush v5, $0x5;
	s3 =	sshra.s32 s19, $0x1F;
	[smem:$0x7F8] =	sst s15;
	s28 =	spop (v2sf)  }
0x8c: {  	s15 =	sshra.s32 s11, $0x1F;
	s3 =	smul.u32 $0x4EC4EC4F, s3;
	[smem:$0x7FB] =	sst s24  }
0x8d: {  	s19 =	smul.u32 $0x4EC4EC4F, s15;
	[dreg:$0x17] =	wrdreg s22  }
0x8e: {  	s15 =	smulhi.u32 $0x4EC4EC4F, s28;
	[dreg:$0x19] =	wrdreg s3  }
0x8f: {  	[dreg:$0x1e] =	wrdreg s19  }
0x90: {  	s22 =	smulhi.u32 $0x4EC4EC4F, s13;
	[smem:$0x7FC] =	sst s15  }
0x91: {  	s3 =	smul.u32 $0x4EC4EC4F, s18;
	s19 =	rddreg [dreg:$0x5]  }
0x92: {  	s13 =	sshra.s32 s13, $0x1F;
	s18 =	smulhi.u32 $0x4EC4EC4F, s26;
	[smem:$0x7F9] =	sst s22  }
0x93: {  	s24 =	smul.u32 $0x4EC4EC4F, s13;
	[smem:$0x7FA] =	sst s3  }
0x94: {  	[smem:$0x7FD] =	sst s18;
	s9 =	spop (v2sf)  }
0x95: {  	s18 =	sadd.s32 s10, s14;
	s14 =	rddreg [dreg:$0x15];
	s13 =	spop (v2sf)  }
0x96: {  	s26 =	sshra.s32 s26, $0x1F;
	s3 =	sshra.s32 s28, $0x1F;
	[dreg:$0x12] =	wrdreg s13  }
0x97: {  	s22 =	smul.u32 $0x4EC4EC4F, s3;
	s13 =	sadd.s32 s23, s19;
	s23 =	rddreg [dreg:$0x1a]  }
0x98: {  	s19 =	smul.u32 $0x4EC4EC4F, s26;
	s26 =	rddreg [dreg:$0x16]  }
0x99: {  	s5 =	spop (v2sf);
	[dreg:$0x18] =	wrdreg s13  }
0x9a: {  	s3 =	spop (v2sf);
	s13 =	sadd.s32 s8, s6;
	s6 =	rddreg [dreg:$0x1c]  }
0x9b: {  	s8 =	rddreg [dreg:$0x1f];
	s28 =	sshra.s32 s3, $0x1F  }
0x9c: {  	s10 =	sadd.s32 s14, s1;
	s15 =	smul.u32 $0x4EC4EC4F, s28;
	s28 =	rddreg [dreg:$0x1b]  }
0x9d: {  	s16 =	sadd.s32 s23, s16;
	s23 =	sadd.s32 s28, s26;
	s28 =	sld [smem:$0x7F6]  }
0x9e: {  	s14 =	smulhi.u32 $0x4EC4EC4F, s3;
	s3 =	sadd.s32 s8, s6;
	s6 =	sld [smem:$0x7F7]  }
0x9f: {  	s26 =	rddreg [dreg:$0x1d]  }
0xa0: {  	s1 =	sadd.s32 s28, s26;
	s26 =	sld [smem:$0x7F8]  }
0xa1: {  	s28 =	sld [smem:$0x7F9];
	_ =	sdelay $0x1  }
0xa2: {  	s26 =	sadd.s32 s26, s6;
	s6 =	sld [smem:$0x7FA]  }
0xa3: {  	s11 =	smulhi.u32 $0x4EC4EC4F, s11;
	s24 =	sadd.s32 s24, s28;
	s28 =	sld [smem:$0x7FB]  }
0xa4: {  	s29 =	sshrl.u32 s29, $0x1F;
	s8 =	smulhi.u32 $0x4EC4EC4F, s5  }
0xa5: {  	s5 =	sshra.s32 s5, $0x1F;
	[dreg:$0x14] =	wrdreg s1;
	s1 =	sshra.s32 s9, $0x1F  }
0xa6: {  	(v2sf) =	vpush v5, $0xE;
	s9 =	smulhi.u32 $0x4EC4EC4F, s9;
	s6 =	sadd.s32 s6, s28;
	s28 =	sld [smem:$0x7FC]  }
0xa7: {  	v9 =	vsel vm15, s7, v9;
	s14 =	sadd.s32 s15, s14;
	s15 =	rddreg [dreg:$0x1e];
	s1 =	smul.u32 $0x4EC4EC4F, s1  }
0xa8: {  	s7 =	sshrl.u32 s21, $0x1F;
	v9 =	vsel vm6, s29, v9;
	s5 =	smul.u32 $0x4EC4EC4F, s5;
	s29 =	rddreg [dreg:$0x14]  }
0xa9: {  	s1 =	sadd.s32 s1, s9;
	s22 =	sadd.s32 s22, s28;
	s28 =	sld [smem:$0x7FD]  }
0xaa: {  	s11 =	sadd.s32 s15, s11;
	s15 =	sshra.s32 s30, $0x3;
	[dreg:$0x10] =	wrdreg s1  }
0xab: {  	(v2sf) =	vpush v5, $0xA;
	v10 =	vmov s15;
	s15 =	sshrl.u32 s23, $0x1F;
	s9 =	sshra.s32 s10, $0x3;
	[dreg:$0x11] =	wrdreg s22  }
0xac: {  	s10 =	sshrl.u32 s10, $0x1F;
	s19 =	sadd.s32 s19, s28;
	s28 =	rddreg [dreg:$0x19]  }
0xad: {  	(v2sf) =	vpush v5, $0xB;
	s1 =	sshra.s32 s17, $0x1F;
	s22 =	sadd.s32 s5, s8;
	[dreg:$0x13] =	wrdreg s19  }
0xae: {  	s8 =	sshra.s32 s13, $0x3;
	s13 =	sshrl.u32 s13, $0x1F;
	s19 =	rddreg [dreg:$0x17]  }
0xaf: {  	v12 =	vmov s8;
	s8 =	sshra.s32 s29, $0x1F;
	v14 =	vmov s13;
	s13 =	sshra.s32 s26, $0x1F;
	s5 =	sadd.s32 s28, s19  }
0xb0: {  	s28 =	sshra.s32 s12, $0x3;
	s12 =	sshra.s32 s17, $0x3;
	s19 =	sshra.s32 s16, $0x3  }
0xb1: {  	s16 =	sshrl.u32 s16, $0x1F;
	s17 =	sshra.s32 s21, $0x3;
	[dreg:$0xf] =	wrdreg s5  }
0xb2: {  	vm14 =	vcmask $0x2724;
	s5 =	sshrl.u32 s30, $0x1F;
	s30 =	sshra.s32 s25, $0x1F;
	s25 =	sshrl.u32 s25, $0x1F  }
0xb3: {  	v8 =	vsel vm15, s12, v8;
	s12 =	sshra.s32 s18, $0x3;
	s18 =	sshrl.u32 s18, $0x1F;
	v10 =	vsel vm0, s28, v10;
	s28 =	sshra.s32 s6, $0x3;
	v14 =	vsel vm0, s16, v14  }
0xb4: {  	v12 =	vsel vm0, s19, v12;
	s19 =	sshrl.u32 s24, $0x1F;
	v8 =	vsel vm14, s1, v8;
	s1 =	rddreg [dreg:$0x18];
	v11 =	vmov s5;
	s5 =	sshra.s32 s6, $0x1F  }
0xb5: {  	v9 =	vsel vm7, s25, v9;
	v10 =	vsel vm1, s9, v10;
	s9 =	spop (v2sf);
	s25 =	rddreg [dreg:$0x12];
	v14 =	vsel vm1, s18, v14;
	s18 =	sshrl.u32 s11, $0x1F  }
0xb6: {  	v13 =	vmov s8;
	vm14 =	vcmask $0x2F2C;
	s21 =	sshra.s32 s1, $0x3;
	v8 =	vsel vm6, s0, v8;
	s1 =	sshrl.u32 s1, $0x1F;
	s0 =	sshra.s32 s23, $0x3  }
0xb7: {  	v12 =	vsel vm1, s12, v12;
	v11 =	vsel vm0, s4, v11;
	s4 =	sshrl.u32 s3, $0x1F;
	s23 =	sshrl.u32 s6, $0x1F;
	s6 =	sshra.s32 s26, $0x3;
	v9 =	vsel vm13, s7, v9  }
0xb8: {  	s8 =	sshra.s32 s25, $0x1F;
	s7 =	smulhi.u32 $0x4EC4EC4F, s25;
	v14 =	vsel vm2, s15, v14;
	v8 =	vsel vm14, s2, v8;
	s2 =	sshra.s32 s3, $0x3;
	v10 =	vsel vm2, s21, v10  }
0xb9: {  	s3 =	sshra.s32 s3, $0x1F;
	s21 =	sshra.s32 s9, $0x1F;
	v11 =	vsel vm1, s10, v11;
	v15 =	vmov s4;
	s8 =	smul.u32 $0x4EC4EC4F, s8;
	v13 =	vsel vm4, s2, v13  }
0xba: {  	v12 =	vsel vm2, s0, v12;
	v9 =	vperm.xlane v9, v3;
	s2 =	sshrl.u32 s26, $0x1F;
	v13 =	vsel vm9, s3, v13;
	s3 =	smulhi.u32 $0x4EC4EC4F, s9;
	s9 =	spop (v2sf)  }
0xbb: {  	v8 =	vsel vm7, s31, v8;
	s26 =	sshra.s32 s24, $0x3;
	s31 =	sshra.s32 s24, $0x1F;
	v11 =	vsel vm2, s1, v11;
	v15 =	vnsel vm4, $0x0, v15;
	s24 =	smulhi.u32 $0x4EC4EC4F, s9  }
0xbc: {  	v8 =	vsel vm3, s30, v8;
	v15 =	vsel vm0, s19, v15;
	v13 =	vsel vm0, s26, v13;
	s16 =	sshra.s32 s9, $0x1F;
	s26 =	smul.u32 $0x4EC4EC4F, s21;
	s30 =	spop (v2sf)  }
0xbd: {  	v10 =	vcombine.low v12, v10;
	v15 =	vsel vm1, s2, v15;
	s21 =	sshra.s32 s11, $0x3;
	v13 =	vsel vm11, s31, v13;
	s25 =	smul.u32 $0x4EC4EC4F, s16;
	s31 =	sshra.s32 s30, $0x1F  }
0xbe: {  	vm4 =	vcmask $0x2724;
	v11 =	vcombine.low v14, v11;
	s19 =	smulhi.u32 $0x4EC4EC4F, s30;
	v15 =	vsel vm2, s23, v15;
	s23 =	rddreg [dreg:$0x11];
	s30 =	sadd.s32 s8, s7  }
0xbf: {  	v8 =	vsel vm13, s17, v8;
	v10 =	vperm.xlane v10, v2;
	s8 =	sshrl.u32 s14, $0x1F;
	v13 =	vsel vm1, s6, v13;
	s6 =	sshrl.u32 s22, $0x1F;
	s3 =	sadd.s32 s26, s3  }
0xc0: {  	v11 =	vperm.xlane v11, v2;
	v8 =	vperm.xlane v8, v3;
	v15 =	vsel vm15, s18, v15;
	s26 =	sshra.s32 s23, $0x3;
	s9 =	smul.u32 $0x4EC4EC4F, s31;
	s31 =	rddreg [dreg:$0x10]  }
0xc1: {  	v13 =	vsel vm12, s13, v13;
	s1 =	sadd.s32 s25, s24;
	s24 =	sshrl.u32 s23, $0x1F;
	v17 =	vmov s26;
	s10 =	sshrl.u32 s31, $0x1F;
	v15 =	vsel vm6, s8, v15  }
0xc2: {  	s25 =	sshra.s32 s11, $0x1F;
	s11 =	rddreg [dreg:$0x13];
	v13 =	vsel vm2, s28, v13;
	v16 =	vmov s24;
	s28 =	sshra.s32 s22, $0x3;
	v19 =	vmov s10  }
0xc3: {  	s4 =	sshra.s32 s14, $0x3;
	s15 =	sshrl.u32 s30, $0x1F;
	s22 =	sshrl.u32 s11, $0x1F;
	v13 =	vsel vm5, s5, v13;
	v16 =	vsel vm0, s6, v16;
	v17 =	vsel vm0, s28, v17  }
0xc4: {  	s2 =	sadd.s32 s9, s19;
	s9 =	sshra.s32 s3, $0x3;
	s6 =	sshra.s32 s31, $0x3;
	v19 =	vsel vm0, s15, v19;
	v58 =	vsel vm7, s22, v15;
	v13 =	vsel vm15, s21, v13  }
0xc5: {  	s0 =	sshra.s32 s30, $0x3;
	s13 =	rddreg [dreg:$0xf];
	s3 =	sshrl.u32 s3, $0x1F;
	v18 =	vmov s6;
	v17 =	vsel vm1, s9, v17;
	v13 =	vsel vm4, s25, v13  }
0xc6: {  	s16 =	sshra.s32 s14, $0x1F;
	s14 =	sshra.s32 s13, $0x3;
	s17 =	sshra.s32 s1, $0x3;
	v16 =	vsel vm1, s3, v16;
	v18 =	vsel vm0, s0, v18;
	v13 =	vsel vm6, s4, v13  }
0xc7: {  	s18 =	sshrl.u32 s13, $0x1F;
	s21 =	sshra.s32 s2, $0x3;
	v17 =	vsel vm2, s14, v17;
	v18 =	vsel vm1, s17, v18;
	v13 =	vsel vm14, s16, v13;
	s16 =	sshrl.u32 s1, $0x1F  }
0xc8: {  	s12 =	sshra.s32 s11, $0x3;
	s19 =	sshrl.u32 s2, $0x1F;
	v16 =	vsel vm2, s18, v16;
	v57 =	vsel vm2, s21, v18;
	v19 =	vsel vm1, s16, v19  }
0xc9: {  	s23 =	sshra.s32 s11, $0x1F;
	s24 =	sshrl.u32 s29, $0x1F;
	v13 =	vsel vm7, s12, v13;
	v12 =	vcombine.low v57, v17;
	v19 =	vsel vm2, s19, v19  }
0xca: {  	v14 =	vsel vm13, s24, v58;
	s25 =	sshra.s32 s29, $0x3;
	v13 =	vsel vm3, s23, v13;
	v59 =	vcombine.low v19, v16  }
0xcb: {  	v14 =	vperm.xlane v14, v3;
	v13 =	vsel vm13, s25, v13;
	v12 =	vperm.xlane v12, v2  }
0xcc: {  	v13 =	vperm.xlane v13, v3;
	v15 =	vperm.xlane v59, v2  }
0xcd: {  	v9 =	vsel vm8, v9, v11;
	v8 =	vsel vm8, v8, v10  }
0xce: {  	v8 =	vadd.s32 v9, v8;
	v61 =	vsel vm8, v13, v12;
	v60 =	vsel vm8, v14, v15  }
0xcf: {  	v8 =	vmul.u32 $0x1A, v8;
	v9 =	vadd.s32 v60, v61  }
0xd0: {  	v9 =	vmul.u32 $0x1A, v9  }
0xd1: {  	v6 =	vadd.s32 v0, v6;
	v4 =	vsub.s32 v4, v8  }
0xd2: {  	vm9 =	vlt.s32 v4, $0x0;
	v8 =	vadd.s32 $0x1A, v4;
	v5 =	vsub.s32 v5, v9  }
0xd3: {  	v4 =	vsel vm9, v8, v4;
	vm9 =	vlt.s32 v5, $0x0;
	v62 =	vadd.s32 $0x1A, v5  }
0xd4: {  	v63 =	vadd.s32 v0, v7;
	s26 =	rddreg [dreg:$0x4];
	v4 =	vadd.s32 v4, v6;
	v5 =	vsel vm9, v62, v5  }
0xd5: {  	[tilespmem:s26+$0xC80] =	vst v4;
	v4 =	vadd.s32 v5, v63  }
0xd6: {  	s8 =	simm.s32 $0x1;
	s28 =	simm.s32 $0xED80;
	s6 =	rddreg [dreg:$0xa];
	[tilespmem:s20+$0xC80] =	vst v4  }
0xd7: {  	[spmem:s6] =	stream.linear.scatter [tilespmem:s28], [sflag:$0x1], $0x6800, $0x38;
	[tilespmem:$0x1BD80] =	vst v63  }
0xd8: {  	_ =	swait.ge [sflag:s8], $0x6800  }
0xd9: {  	s30 =	simm.s32 $0x0;
	s9 =	simm.s32 $0x80;
	[sflag:s8] =	ssyncset.done $0x0  }
0xda: {  	s29 =	simm.s32 $0x2580;
	s7 =	rddreg [dreg:$0x6];
	[sflag:s8] =	ssyncadd.s32 $0xFFFF9800  }
0xdb: {  	[tilespmem:s29], [sflag:$0x1] =	stream.indirect.gather [hbm4b:s7+s9], $0x10, s30, s9, $0xb8;
	[tilespmem:$0x1BD80] =	vst v63  }
0xdc: {  	_ =	swait.ge [sflag:s8], $0x800  }
0xdd: {  	[sflag:s8] =	ssyncset.done $0x0  }
0xde: {  	[sflag:s8] =	ssyncadd.s32 $0xFFFFF800  }
0xdf: {  	s31 =	simm.s32 $0xC80;
	s5 =	rddreg [dreg:$0x2]  }
0xe0: {  	[spmem:s5] =	stream.indirect.scatter.add.f32 [tilespmem:s29], [sflag:$0x1], $0x10, s31, s9, $0xb8;
	[tilespmem:$0x1BD80] =	vst v63  }
0xe1: {  	s2 =	simm.s32 $0x400;
	_ =	swait.ge [sflag:s8], $0x800  }
0xe2: {  	vm15 =	vmmov vm14;
	s0 =	simm.s32 $0x2D80;
	s1 =	simm.s32 $0x200;
	[sflag:s8] =	ssyncset.done $0x0  }
.LBB2_7:
0xe3: {  	s3 =	sshra.s32 s1, $0x2  }
0xe4: {  	[sflag:s8] =	ssyncadd.s32 $0xFFFFF800;
	s1 =	smov.u32 s2;
	s4 =	sadd.s32 $0x200, s2  }
0xe5: {  	[tilespmem:s0], [sflag:$0x1] =	stream.indirect.gather [hbm4b:s7+s9], $0x10, s3, s9, $0xb8;
	[tilespmem:$0x1BD80] =	vst v63  }
0xe6: {  	p0 =	sne.s32 s2, $0x3000;
	_ =	swait.ge [sflag:s8], $0x800  }
.Ltmp2:
0xe7: {  	[sflag:s8] =	ssyncset.done $0x0;
	(pc) =	sbr.rel @p0 .LBB2_7-.Ltmp2, $4  }
0xe8: {  	s2 =	sadd.s32 $0xC80, s3;
	[sflag:s8] =	ssyncadd.s32 $0xFFFFF800  }
0xe9: {  	[spmem:s5] =	stream.indirect.scatter.add.f32 [tilespmem:s0], [sflag:$0x1], $0x10, s2, s9, $0xb8;
	[tilespmem:$0x1BD80] =	vst v63  }
0xea: {  	_ =	swait.ge [sflag:s8], $0x800  }
0xeb: {  	s0 =	sadd.s32 $0x800, s0;
	s2 =	smov.u32 s4;
	[sflag:s8] =	ssyncset.done $0x0  }
0xec: {  	s1 =	sshra.s32 s1, $0x2;
	[sflag:s8] =	ssyncadd.s32 $0xFFFFF800  }
0xed: {  	[tilespmem:s0], [sflag:$0x1] =	stream.indirect.gather [hbm4b:s7+s9], $0x10, s1, s9, $0xb8;
	[tilespmem:$0x1BD80] =	vst v63  }
0xee: {  	_ =	swait.ge [sflag:s8], $0x800  }
0xef: {  	[sflag:s8] =	ssyncset.done $0x0  }
0xf0: {  	s1 =	sadd.s32 $0xC80, s1;
	[sflag:s8] =	ssyncadd.s32 $0xFFFFF800  }
0xf1: {  	[spmem:s5] =	stream.indirect.scatter.add.f32 [tilespmem:s0], [sflag:$0x1], $0x10, s1, s9, $0xb8;
	[tilespmem:$0x1BD80] =	vst v63  }
0xf2: {  	_ =	swait.ge [sflag:s8], $0x800  }
0xf3: {  	s29 =	rddreg [dreg:$0xb]  }
0xf4: {  	s30 =	stileid.u32;
	s3 =	rddreg [dreg:$0xe]  }
0xf5: {  	s31 =	sshrl.u32 s6, $0x3;
	s1 =	sshll.u32 s30, $0x6;
	s0 =	sadd.s32 s29, s3  }
0xf6: {  	s1 =	sor.u32 $0x1C01, s1;
	s3 =	sadd.s32 $0x1, s3;
	s0 =	smul.u32 $0xD00, s0  }
0xf7: {  	[sflag:s8] =	ssyncset.done $0x0;
	s2 =	rddreg [dreg:$0x8];
	p0 =	sne.s32 s3, $0x8  }
.Ltmp3:
0xf8: {  	[sflag:s8] =	ssyncadd.s32 $0xFFFFF800;
	s0 =	sadd.s32 s2, s0;
	(pc) =	sbr.rel @p0 .LBB2_4-.Ltmp3, $4  }
0xf9: {  	[hbm:s0], [sflag:s1] =	dma.local [spmem:s31], $0xD00  }
0xfa: {  	_ =	swait.ge [sflag:s8], $0xD00  }
0xfb: {  	vm9 =	vmmov vm10;
	vm11 =	vcmask $0xF0C;
	[sflag:s8] =	ssyncset.done $0x0  }
0xfc: {  	vm12 =	vcmask $0x1714;
	vm5 =	vcmask $0x1F1C;
	vm4 =	vcmask $0x300;
	[sflag:s8] =	ssyncadd.s32 $0xFFFFF300  }
0xfd: {  	s1 =	rddreg [dreg:$0xd]  }
0xfe: {  	s0 =	rddreg [dreg:$0xc];
	s1 =	sadd.s32 $0x1, s1  }
0xff: {  	p0 =	sne.s32 s1, s0  }
.Ltmp4:
0x100: {  	_ = 	snop;
	(pc) =	sbr.rel @p0 .LBB2_1-.Ltmp4, $1  }
0x101: {  	_ =	sdelay $0x3  }
0x102: {  	_ =	sfence.sel $0x180000  }
0x103: {  	[bflag:$0x0] =	sbarrier.arrive $0xFFFF  }
0x104: {  	_ =	strace $0x90000047  }
0x105: {  	s0 =	stileid.u32;
	[bflag:$0x2] =	sbarrier.arrive $0xFFFF  }
0x106: {  	p0 =	sne.s32 s0, $0x0;
	s0 =	rddreg [dreg:$0x3]  }
0x107: {  	s0 =	sadd.s32 @!p0 $0x100000, s0  }
0x108: {  	[sflag:s0] =	ssyncadd.tile.s32 @!p0 $0x1;
	_ =	shalt  }
.Lfunc_end2:
_tile_overlayer_lowered:
.L_overlay_start_2:
0x109: {  	(tag) =	ssettag $0x2  }
0x10a: {  	s0 =	rddreg [dreg:$0x0];
	s2 =	stileid.u32  }
0x10b: {  	s1 =	rddreg [dreg:$0x1];
	p0 =	sne.s32 s2, $0x0  }
0x10c: {  	s3 =	rddreg [dreg:$0x2];
	[bflag:$0x3] =	sbarrier.arrive $0xFFFF;
	s2 =	simm.s32 @!p0 $0x1C01  }
0x10d: {  	[timem:s3], [sflag:s2] =	dma.local @!p0 [hbm:s0], s1  }
0x10e: {  	s0 =	simm.s32 @!p0 $0x1  }
0x10f: {  	_ =	swait.ge @!p0 [sflag:s0], s1  }
0x110: {  	s1 =	ssub.s32 @!p0 $0x0, s1;
	[sflag:s0] =	ssyncset.done @!p0 $0x0  }
0x111: {  	[sflag:s0] =	ssyncadd.s32 @!p0 s1  }
0x112: {  	[bflag:$0x3] =	sbarrier.arrive $0xFFFF  }
0x113: {  	_ =	shalt  }

</sc_bundles>
